<compile_context>
chip_gen: v7x
topology: tpu7x:2x2x1
jax: 0.10.2.dev20260603
libtpu: 0.0.44.dev20260713+nightly
codegen_flags: <defaults>
</compile_context>

<pallas_src>
import functools

import numpy as np
import jax
import jax.numpy as jnp
from jax import lax
from jax.experimental import pallas as pl
from jax.experimental.pallas import tpu as pltpu
from jax.experimental.pallas import tpu_sc as plsc

DIM = 256
K = 8192
N = 9216

BN = 3072
NB = N // BN

KC = 128
NKC = K // KC


def _argmin_body(xf_ref, e_ref, xsq_ref, esq_ref, out_ref):
    x2 = xf_ref[...] * 2.0
    xsq = xsq_ref[...]
    e = e_ref[...]
    esq = esq_ref[...]
    run = None
    cid = None
    for c in range(NKC):
        e_c = lax.slice(e, (c * KC, 0), ((c + 1) * KC, DIM))
        dot2 = lax.dot_general(
            x2, e_c,
            dimension_numbers=(((1,), (1,)), ((), ())),
            preferred_element_type=jnp.float32,
        )
        t_c = xsq - dot2 + lax.slice(esq, (0, c * KC), (1, (c + 1) * KC))
        if run is None:
            run = t_c
            cid = jnp.zeros(t_c.shape, jnp.int32)
        else:
            lt = t_c < run
            run = jnp.minimum(t_c, run)
            cid = jnp.where(lt, jnp.int32(c), cid)
    m = jnp.min(run, axis=1, keepdims=True)
    lane = lax.broadcasted_iota(jnp.int32, run.shape, 1)
    idxc = jnp.where(run == m, cid * KC + lane, jnp.int32(K))
    out_ref[0, 0, :] = jnp.min(idxc, axis=1)


def _nearest_indices(xf, eT, xsq, esq):
    out = pl.pallas_call(
        _argmin_body,
        grid=(NB,),
        in_specs=[
            pl.BlockSpec((BN, DIM), lambda i: (i, 0)),
            pl.BlockSpec((K, DIM), lambda i: (0, 0)),
            pl.BlockSpec((BN, 1), lambda i: (i, 0)),
            pl.BlockSpec((1, K), lambda i: (0, 0)),
        ],
        out_specs=pl.BlockSpec((1, 1, BN), lambda i: (i, 0, 0)),
        out_shape=jax.ShapeDtypeStruct((NB, 1, BN), jnp.int32),
    )(xf, eT, xsq, esq)
    return out.reshape(N)


def _gather_rows(table, ind):
    info = plsc.get_sparse_core_info()
    nc, ns = info.num_cores, info.num_subcores
    nw = nc * ns
    b_per_w = N // nw
    mesh = plsc.VectorSubcoreMesh(core_axis_name="c", subcore_axis_name="s")

    @functools.partial(
        pl.kernel,
        mesh=mesh,
        out_type=jax.ShapeDtypeStruct((N, DIM), jnp.float32),
        scratch_types=[
            pltpu.VMEM((b_per_w,), jnp.int32),
            pltpu.VMEM((b_per_w, DIM), jnp.float32),
            pltpu.SemaphoreType.DMA,
        ],
    )
    def gather_k(table_hbm, idx_hbm, out_hbm, idx_v, rows_v, sem):
        wid = lax.axis_index("s") * nc + lax.axis_index("c")
        base = wid * b_per_w
        pltpu.sync_copy(idx_hbm.at[pl.ds(base, b_per_w)], idx_v)
        pltpu.async_copy(table_hbm.at[idx_v], rows_v, sem).wait()
        pltpu.sync_copy(rows_v, out_hbm.at[pl.ds(base, b_per_w)])

    return gather_k(table, ind)


def kernel(x, embed):
    xf = x[0]
    e0 = embed[0]
    xsq = jnp.sum(xf * xf, axis=-1, keepdims=True)
    esq = jnp.sum(e0 * e0, axis=-1)[None, :]
    ind = _nearest_indices(xf, e0, xsq, esq)
    quantize = _gather_rows(e0, ind)
    return quantize, ind.reshape(1, N)

# --- scband reference (transcript-rebuilt; emitter-appended) ---
"""Pipeline reference for scband-euclidean-codebook-86431921864876 (READ-ONLY COPY).

The authoritative reference and input builder live on the scoring server;
editing this copy changes nothing except your own understanding.
"""

import jax, jax.numpy as jnp
import numpy as np

DIM = 256
CODEBOOK_SIZE = 8192
NUM_CODEBOOKS = 1
N_TOKENS = 9216


def setup_inputs(seed: int = 0) -> dict:
    key = jax.random.key(seed)
    k1, k2 = jax.random.split(key)
    x = jax.random.normal(k1, (NUM_CODEBOOKS, N_TOKENS, DIM), dtype=jnp.float32)
    # kaiming_uniform-like init for the codebook parameter (uniform_init in the torch code)
    bound = float(np.sqrt(6.0 / DIM))
    embed = jax.random.uniform(k2, (NUM_CODEBOOKS, CODEBOOK_SIZE, DIM), dtype=jnp.float32, minval=-bound, maxval=bound)
    return {"x": x, "embed": embed}


def reference(x, embed):
    # x: [h, n, d] flattened token features; embed: [h, K, d] codebook (initted=True so no kmeans path)
    flatten = x
    x_sq = jnp.sum(flatten * flatten, axis=-1, keepdims=True)            # [h, n, 1]
    e_sq = jnp.sum(embed * embed, axis=-1)[:, None, :]                   # [h, 1, K]
    dot = jnp.einsum('hnd,hkd->hnk', flatten, embed)                     # [h, n, K]
    dist = -(x_sq - 2.0 * dot + e_sq)                                    # negative squared euclidean
    embed_ind = jnp.argmax(dist, axis=-1)                                # [h, n]
    # batched_embedding: differentiable lookup via one-hot soft assignment matmul
    e0 = embed[0]                                                        # squeeze codebook dim (num_codebooks == 1)
    idx = embed_ind.reshape(-1, 1)
    soft_weights = jax.nn.one_hot(idx[:, 0], e0.shape[0], dtype=jnp.float32)  # [n, K]
    soft_weights = soft_weights + (idx - jax.lax.stop_gradient(idx)).astype(jnp.float32)
    quantize = soft_weights @ e0                                         # [n, d]
    return quantize, embed_ind

if __name__ == "__main__":
    import jax
    _d = setup_inputs()
    print(jax.jit(kernel)(*tuple(_d.values())))

</pallas_src>

<mosaic_0001>
#map = affine_map<(d0, d1) -> (0, 0)>
#map1 = affine_map<(d0, d1) -> (0)>
module attributes {stable_mosaic.version = 14 : i64} {
  func.func @gather_k(%arg0: i32, %arg1: i32, %arg2: memref<8192x256xf32, #tpu.memory_space<hbm>>, %arg3: memref<9216xi32, #tpu.memory_space<hbm>>, %arg4: memref<9216x256xf32, #tpu.memory_space<hbm>>, %arg5: memref<288xi32, #tpu.memory_space<vmem>>, %arg6: memref<288x256xf32, #tpu.memory_space<vmem>>, %arg7: memref<!tpu.dma_semaphore, #tpu.memory_space<semaphore_mem>>) attributes {dimension_semantics = [#tpu.dimension_semantics<core_parallel>, #tpu.dimension_semantics<subcore_parallel>], iteration_bounds = array<i64: 2, 16>, scalar_prefetch = 0 : i64, scratch_operands = 3 : i64, tpu.core_type = #tpu.core_type<sc_vector_subcore>, window_params = [{transform_indices = #map}, {transform_indices = #map1}, {transform_indices = #map}]} {
    %mul3A = arith.constant 2 : i32
    %mul3A_0 = arith.muli %arg1, %mul3A : i32
    %add3A = arith.addi %mul3A_0, %arg0 : i32
    %mul3A_1 = arith.constant 288 : i32
    %mul3A_2 = arith.muli %add3A, %mul3A_1 : i32
    "tpu.region"() ({
      %run_scoped3A = tpu.sem_alloc : memref<!tpu.dma_semaphore, #tpu.memory_space<semaphore_mem>>
      %dma_start3A_7 = tpu.memref_slice %arg3[%mul3A_2] : memref<9216xi32, #tpu.memory_space<hbm>> -> memref<288xi32, #tpu.memory_space<hbm>>
      %dma_start3A_8 = tpu.memref_slice %arg3[%mul3A_2] : memref<9216xi32, #tpu.memory_space<hbm>> -> memref<288xi32, #tpu.memory_space<hbm>>
      tpu.enqueue_dma source(%dma_start3A_8 : memref<288xi32, #tpu.memory_space<hbm>>) target(%arg5 : memref<288xi32, #tpu.memory_space<vmem>>) target_semaphore(%run_scoped3A : memref<!tpu.dma_semaphore, #tpu.memory_space<semaphore_mem>>)
      %dma_wait3A_9 = tpu.memref_slice %arg3[%mul3A_2] : memref<9216xi32, #tpu.memory_space<hbm>> -> memref<288xi32, #tpu.memory_space<hbm>>
      %dma_wait3A_10 = tpu.memref_slice %arg3[%mul3A_2] : memref<9216xi32, #tpu.memory_space<hbm>> -> memref<288xi32, #tpu.memory_space<hbm>>
      tpu.wait_dma2 semaphore(%run_scoped3A : memref<!tpu.dma_semaphore, #tpu.memory_space<semaphore_mem>>) src(%dma_wait3A_10 : memref<288xi32, #tpu.memory_space<hbm>>) dst(%arg5 : memref<288xi32, #tpu.memory_space<vmem>>)
      tpu.yield
    }) : () -> ()
    %dma_start3A = arith.constant 0 : i32
    %dma_start3A_3 = arith.constant 0 : i32
    %dma_start3A_4 = tpu.memref_slice %arg2[%dma_start3A, %dma_start3A_3] : memref<8192x256xf32, #tpu.memory_space<hbm>> -> memref<8192x256xf32, #tpu.memory_space<hbm>>
    tpu.enqueue_indirect_dma source(%dma_start3A_4 : memref<8192x256xf32, #tpu.memory_space<hbm>>) target(%arg6 : memref<288x256xf32, #tpu.memory_space<vmem>>) offsets(%arg5 : memref<288xi32, #tpu.memory_space<vmem>>) semaphore(%arg7 : memref<!tpu.dma_semaphore, #tpu.memory_space<semaphore_mem>>)
    %dma_wait3A = arith.constant 0 : i32
    %dma_wait3A_5 = arith.constant 0 : i32
    %dma_wait3A_6 = tpu.memref_slice %arg2[%dma_wait3A, %dma_wait3A_5] : memref<8192x256xf32, #tpu.memory_space<hbm>> -> memref<8192x256xf32, #tpu.memory_space<hbm>>
    tpu.wait_indirect_dma semaphore(%arg7 : memref<!tpu.dma_semaphore, #tpu.memory_space<semaphore_mem>>) src(%dma_wait3A_6 : memref<8192x256xf32, #tpu.memory_space<hbm>>) dst(%arg6 : memref<288x256xf32, #tpu.memory_space<vmem>>)
    "tpu.region"() ({
      %run_scoped3A = tpu.sem_alloc : memref<!tpu.dma_semaphore, #tpu.memory_space<semaphore_mem>>
      %dma_start3A_7 = arith.constant 0 : i32
      %dma_start3A_8 = tpu.memref_slice %arg4[%mul3A_2, %dma_start3A_7] : memref<9216x256xf32, #tpu.memory_space<hbm>> -> memref<288x256xf32, #tpu.memory_space<hbm>>
      %dma_start3A_9 = arith.constant 0 : i32
      %dma_start3A_10 = tpu.memref_slice %arg4[%mul3A_2, %dma_start3A_9] : memref<9216x256xf32, #tpu.memory_space<hbm>> -> memref<288x256xf32, #tpu.memory_space<hbm>>
      tpu.enqueue_dma source(%arg6 : memref<288x256xf32, #tpu.memory_space<vmem>>) target(%dma_start3A_10 : memref<288x256xf32, #tpu.memory_space<hbm>>) target_semaphore(%run_scoped3A : memref<!tpu.dma_semaphore, #tpu.memory_space<semaphore_mem>>)
      %dma_wait3A_11 = arith.constant 0 : i32
      %dma_wait3A_12 = tpu.memref_slice %arg4[%mul3A_2, %dma_wait3A_11] : memref<9216x256xf32, #tpu.memory_space<hbm>> -> memref<288x256xf32, #tpu.memory_space<hbm>>
      %dma_wait3A_13 = arith.constant 0 : i32
      %dma_wait3A_14 = tpu.memref_slice %arg4[%mul3A_2, %dma_wait3A_13] : memref<9216x256xf32, #tpu.memory_space<hbm>> -> memref<288x256xf32, #tpu.memory_space<hbm>>
      tpu.wait_dma2 semaphore(%run_scoped3A : memref<!tpu.dma_semaphore, #tpu.memory_space<semaphore_mem>>) src(%arg6 : memref<288x256xf32, #tpu.memory_space<vmem>>) dst(%dma_wait3A_14 : memref<288x256xf32, #tpu.memory_space<hbm>>)
      tpu.yield
    }) : () -> ()
    return
  }
}

module attributes {stable_mosaic.version = 14 : i64} {
  func.func @_argmin_body(%arg0: i32, %arg1: memref<3072x256xf32, #tpu.memory_space<vmem>>, %arg2: memref<8192x256xf32, #tpu.memory_space<vmem>>, %arg3: memref<3072x1xf32, #tpu.memory_space<vmem>>, %arg4: memref<1x8192xf32, #tpu.memory_space<vmem>>, %arg5: memref<1x1x3072xi32, #tpu.memory_space<vmem>>) attributes {dimension_semantics = [#tpu.dimension_semantics<arbitrary>], iteration_bounds = array<i64: 3>, scalar_prefetch = 0 : i64, scratch_operands = 0 : i64, tpu.core_type = #tpu.core_type<tc>, window_params = [{transform_indices = @transform_0, window_bounds = array<i64: 3072, 256>}, {pipeline_mode = #tpu.pipeline_mode<synchronous>, transform_indices = @transform_1, window_bounds = array<i64: 8192, 256>}, {transform_indices = @transform_2, window_bounds = array<i64: 3072, 1>}, {pipeline_mode = #tpu.pipeline_mode<synchronous>, transform_indices = @transform_3, window_bounds = array<i64: 1, 8192>}, {transform_indices = @transform_4, window_bounds = array<i64: 1, 1, 3072>}]} {
    %get3A = arith.constant 0 : index
    %get3A_0 = arith.constant 0 : index
    %get3A_1 = vector.load %arg1[%get3A, %get3A_0] : memref<3072x256xf32, #tpu.memory_space<vmem>>, vector<3072x256xf32>
    %mul3A = arith.constant 2.000000e+00 : f32
    %mul3A_2 = vector.broadcast %mul3A : f32 to vector<3072x256xf32>
    %mul3A_3 = arith.mulf %get3A_1, %mul3A_2 : vector<3072x256xf32>
    %get3A_4 = arith.constant 0 : index
    %get3A_5 = arith.constant 0 : index
    %get3A_6 = vector.load %arg3[%get3A_4, %get3A_5] : memref<3072x1xf32, #tpu.memory_space<vmem>>, vector<3072x1xf32>
    %get3A_7 = arith.constant 0 : index
    %get3A_8 = arith.constant 0 : index
    %get3A_9 = vector.load %arg2[%get3A_7, %get3A_8] : memref<8192x256xf32, #tpu.memory_space<vmem>>, vector<8192x256xf32>
    %get3A_10 = arith.constant 0 : index
    %get3A_11 = arith.constant 0 : index
    %get3A_12 = vector.load %arg4[%get3A_10, %get3A_11] : memref<1x8192xf32, #tpu.memory_space<vmem>>, vector<1x8192xf32>
    %slice3A = vector.extract_strided_slice %get3A_9 {offsets = [0, 0], sizes = [128, 256], strides = [1, 1]} : vector<8192x256xf32> to vector<128x256xf32>
    %dot_general3A = arith.constant dense<0.000000e+00> : vector<3072x128xf32>
    %dot_general3A_13 = tpu.matmul %mul3A_3, %slice3A, %dot_general3A {dimension_numbers = #tpu.dot_dimension_numbers<[1], [1], [0], [0], [0, 0, 1, 0], [], []>, transpose_lhs_hint = false} : vector<3072x256xf32>, vector<128x256xf32>, vector<3072x128xf32> -> vector<3072x128xf32>
    %sub3A = vector.broadcast %get3A_6 : vector<3072x1xf32> to vector<3072x128xf32>
    %sub3A_14 = arith.subf %sub3A, %dot_general3A_13 : vector<3072x128xf32>
    %slice3A_15 = vector.extract_strided_slice %get3A_12 {offsets = [0, 0], sizes = [1, 128], strides = [1, 1]} : vector<1x8192xf32> to vector<1x128xf32>
    %add3A = vector.broadcast %slice3A_15 : vector<1x128xf32> to vector<3072x128xf32>
    %add3A_16 = arith.addf %sub3A_14, %add3A : vector<3072x128xf32>
    %broadcast_in_dim3A = arith.constant 0 : i32
    %broadcast_in_dim3A_17 = vector.broadcast %broadcast_in_dim3A : i32 to vector<3072x128xi32>
    %slice3A_18 = vector.extract_strided_slice %get3A_9 {offsets = [128, 0], sizes = [128, 256], strides = [1, 1]} : vector<8192x256xf32> to vector<128x256xf32>
    %dot_general3A_19 = arith.constant dense<0.000000e+00> : vector<3072x128xf32>
    %dot_general3A_20 = tpu.matmul %mul3A_3, %slice3A_18, %dot_general3A_19 {dimension_numbers = #tpu.dot_dimension_numbers<[1], [1], [0], [0], [0, 0, 1, 0], [], []>, transpose_lhs_hint = false} : vector<3072x256xf32>, vector<128x256xf32>, vector<3072x128xf32> -> vector<3072x128xf32>
    %sub3A_21 = vector.broadcast %get3A_6 : vector<3072x1xf32> to vector<3072x128xf32>
    %sub3A_22 = arith.subf %sub3A_21, %dot_general3A_20 : vector<3072x128xf32>
    %slice3A_23 = vector.extract_strided_slice %get3A_12 {offsets = [0, 128], sizes = [1, 128], strides = [1, 1]} : vector<1x8192xf32> to vector<1x128xf32>
    %add3A_24 = vector.broadcast %slice3A_23 : vector<1x128xf32> to vector<3072x128xf32>
    %add3A_25 = arith.addf %sub3A_22, %add3A_24 : vector<3072x128xf32>
    %lt3A = arith.cmpf olt, %add3A_25, %add3A_16 : vector<3072x128xf32>
    %min3A = arith.minimumf %add3A_25, %add3A_16 : vector<3072x128xf32>
    %jit3A = arith.constant 1 : i32
    %broadcast_in_dim3A_26 = vector.broadcast %jit3A : i32 to vector<3072x128xi32>
    %select_n3A = arith.select %lt3A, %broadcast_in_dim3A_26, %broadcast_in_dim3A_17 : vector<3072x128xi1>, vector<3072x128xi32>
    %slice3A_27 = vector.extract_strided_slice %get3A_9 {offsets = [256, 0], sizes = [128, 256], strides = [1, 1]} : vector<8192x256xf32> to vector<128x256xf32>
    %dot_general3A_28 = arith.constant dense<0.000000e+00> : vector<3072x128xf32>
    %dot_general3A_29 = tpu.matmul %mul3A_3, %slice3A_27, %dot_general3A_28 {dimension_numbers = #tpu.dot_dimension_numbers<[1], [1], [0], [0], [0, 0, 1, 0], [], []>, transpose_lhs_hint = false} : vector<3072x256xf32>, vector<128x256xf32>, vector<3072x128xf32> -> vector<3072x128xf32>
    %sub3A_30 = vector.broadcast %get3A_6 : vector<3072x1xf32> to vector<3072x128xf32>
    %sub3A_31 = arith.subf %sub3A_30, %dot_general3A_29 : vector<3072x128xf32>
    %slice3A_32 = vector.extract_strided_slice %get3A_12 {offsets = [0, 256], sizes = [1, 128], strides = [1, 1]} : vector<1x8192xf32> to vector<1x128xf32>
    %add3A_33 = vector.broadcast %slice3A_32 : vector<1x128xf32> to vector<3072x128xf32>
    %add3A_34 = arith.addf %sub3A_31, %add3A_33 : vector<3072x128xf32>
    %lt3A_35 = arith.cmpf olt, %add3A_34, %min3A : vector<3072x128xf32>
    %min3A_36 = arith.minimumf %add3A_34, %min3A : vector<3072x128xf32>
    %jit3A_37 = arith.constant 2 : i32
    %broadcast_in_dim3A_38 = vector.broadcast %jit3A_37 : i32 to vector<3072x128xi32>
    %select_n3A_39 = arith.select %lt3A_35, %broadcast_in_dim3A_38, %select_n3A : vector<3072x128xi1>, vector<3072x128xi32>
    %slice3A_40 = vector.extract_strided_slice %get3A_9 {offsets = [384, 0], sizes = [128, 256], strides = [1, 1]} : vector<8192x256xf32> to vector<128x256xf32>
    %dot_general3A_41 = arith.constant dense<0.000000e+00> : vector<3072x128xf32>
    %dot_general3A_42 = tpu.matmul %mul3A_3, %slice3A_40, %dot_general3A_41 {dimension_numbers = #tpu.dot_dimension_numbers<[1], [1], [0], [0], [0, 0, 1, 0], [], []>, transpose_lhs_hint = false} : vector<3072x256xf32>, vector<128x256xf32>, vector<3072x128xf32> -> vector<3072x128xf32>
    %sub3A_43 = vector.broadcast %get3A_6 : vector<3072x1xf32> to vector<3072x128xf32>
    %sub3A_44 = arith.subf %sub3A_43, %dot_general3A_42 : vector<3072x128xf32>
    %slice3A_45 = vector.extract_strided_slice %get3A_12 {offsets = [0, 384], sizes = [1, 128], strides = [1, 1]} : vector<1x8192xf32> to vector<1x128xf32>
    %add3A_46 = vector.broadcast %slice3A_45 : vector<1x128xf32> to vector<3072x128xf32>
    %add3A_47 = arith.addf %sub3A_44, %add3A_46 : vector<3072x128xf32>
    %lt3A_48 = arith.cmpf olt, %add3A_47, %min3A_36 : vector<3072x128xf32>
    %min3A_49 = arith.minimumf %add3A_47, %min3A_36 : vector<3072x128xf32>
    %jit3A_50 = arith.constant 3 : i32
    %broadcast_in_dim3A_51 = vector.broadcast %jit3A_50 : i32 to vector<3072x128xi32>
    %select_n3A_52 = arith.select %lt3A_48, %broadcast_in_dim3A_51, %select_n3A_39 : vector<3072x128xi1>, vector<3072x128xi32>
    %slice3A_53 = vector.extract_strided_slice %get3A_9 {offsets = [512, 0], sizes = [128, 256], strides = [1, 1]} : vector<8192x256xf32> to vector<128x256xf32>
    %dot_general3A_54 = arith.constant dense<0.000000e+00> : vector<3072x128xf32>
    %dot_general3A_55 = tpu.matmul %mul3A_3, %slice3A_53, %dot_general3A_54 {dimension_numbers = #tpu.dot_dimension_numbers<[1], [1], [0], [0], [0, 0, 1, 0], [], []>, transpose_lhs_hint = false} : vector<3072x256xf32>, vector<128x256xf32>, vector<3072x128xf32> -> vector<3072x128xf32>
    %sub3A_56 = vector.broadcast %get3A_6 : vector<3072x1xf32> to vector<3072x128xf32>
    %sub3A_57 = arith.subf %sub3A_56, %dot_general3A_55 : vector<3072x128xf32>
    %slice3A_58 = vector.extract_strided_slice %get3A_12 {offsets = [0, 512], sizes = [1, 128], strides = [1, 1]} : vector<1x8192xf32> to vector<1x128xf32>
    %add3A_59 = vector.broadcast %slice3A_58 : vector<1x128xf32> to vector<3072x128xf32>
    %add3A_60 = arith.addf %sub3A_57, %add3A_59 : vector<3072x128xf32>
    %lt3A_61 = arith.cmpf olt, %add3A_60, %min3A_49 : vector<3072x128xf32>
    %min3A_62 = arith.minimumf %add3A_60, %min3A_49 : vector<3072x128xf32>
    %jit3A_63 = arith.constant 4 : i32
    %broadcast_in_dim3A_64 = vector.broadcast %jit3A_63 : i32 to vector<3072x128xi32>
    %select_n3A_65 = arith.select %lt3A_61, %broadcast_in_dim3A_64, %select_n3A_52 : vector<3072x128xi1>, vector<3072x128xi32>
    %slice3A_66 = vector.extract_strided_slice %get3A_9 {offsets = [640, 0], sizes = [128, 256], strides = [1, 1]} : vector<8192x256xf32> to vector<128x256xf32>
    %dot_general3A_67 = arith.constant dense<0.000000e+00> : vector<3072x128xf32>
    %dot_general3A_68 = tpu.matmul %mul3A_3, %slice3A_66, %dot_general3A_67 {dimension_numbers = #tpu.dot_dimension_numbers<[1], [1], [0], [0], [0, 0, 1, 0], [], []>, transpose_lhs_hint = false} : vector<3072x256xf32>, vector<128x256xf32>, vector<3072x128xf32> -> vector<3072x128xf32>
    %sub3A_69 = vector.broadcast %get3A_6 : vector<3072x1xf32> to vector<3072x128xf32>
    %sub3A_70 = arith.subf %sub3A_69, %dot_general3A_68 : vector<3072x128xf32>
    %slice3A_71 = vector.extract_strided_slice %get3A_12 {offsets = [0, 640], sizes = [1, 128], strides = [1, 1]} : vector<1x8192xf32> to vector<1x128xf32>
    %add3A_72 = vector.broadcast %slice3A_71 : vector<1x128xf32> to vector<3072x128xf32>
    %add3A_73 = arith.addf %sub3A_70, %add3A_72 : vector<3072x128xf32>
    %lt3A_74 = arith.cmpf olt, %add3A_73, %min3A_62 : vector<3072x128xf32>
    %min3A_75 = arith.minimumf %add3A_73, %min3A_62 : vector<3072x128xf32>
    %jit3A_76 = arith.constant 5 : i32
    %broadcast_in_dim3A_77 = vector.broadcast %jit3A_76 : i32 to vector<3072x128xi32>
    %select_n3A_78 = arith.select %lt3A_74, %broadcast_in_dim3A_77, %select_n3A_65 : vector<3072x128xi1>, vector<3072x128xi32>
    %slice3A_79 = vector.extract_strided_slice %get3A_9 {offsets = [768, 0], sizes = [128, 256], strides = [1, 1]} : vector<8192x256xf32> to vector<128x256xf32>
    %dot_general3A_80 = arith.constant dense<0.000000e+00> : vector<3072x128xf32>
    %dot_general3A_81 = tpu.matmul %mul3A_3, %slice3A_79, %dot_general3A_80 {dimension_numbers = #tpu.dot_dimension_numbers<[1], [1], [0], [0], [0, 0, 1, 0], [], []>, transpose_lhs_hint = false} : vector<3072x256xf32>, vector<128x256xf32>, vector<3072x128xf32> -> vector<3072x128xf32>
    %sub3A_82 = vector.broadcast %get3A_6 : vector<3072x1xf32> to vector<3072x128xf32>
    %sub3A_83 = arith.subf %sub3A_82, %dot_general3A_81 : vector<3072x128xf32>
    %slice3A_84 = vector.extract_strided_slice %get3A_12 {offsets = [0, 768], sizes = [1, 128], strides = [1, 1]} : vector<1x8192xf32> to vector<1x128xf32>
    %add3A_85 = vector.broadcast %slice3A_84 : vector<1x128xf32> to vector<3072x128xf32>
    %add3A_86 = arith.addf %sub3A_83, %add3A_85 : vector<3072x128xf32>
    %lt3A_87 = arith.cmpf olt, %add3A_86, %min3A_75 : vector<3072x128xf32>
    %min3A_88 = arith.minimumf %add3A_86, %min3A_75 : vector<3072x128xf32>
    %jit3A_89 = arith.constant 6 : i32
    %broadcast_in_dim3A_90 = vector.broadcast %jit3A_89 : i32 to vector<3072x128xi32>
    %select_n3A_91 = arith.select %lt3A_87, %broadcast_in_dim3A_90, %select_n3A_78 : vector<3072x128xi1>, vector<3072x128xi32>
    %slice3A_92 = vector.extract_strided_slice %get3A_9 {offsets = [896, 0], sizes = [128, 256], strides = [1, 1]} : vector<8192x256xf32> to vector<128x256xf32>
    %dot_general3A_93 = arith.constant dense<0.000000e+00> : vector<3072x128xf32>
    %dot_general3A_94 = tpu.matmul %mul3A_3, %slice3A_92, %dot_general3A_93 {dimension_numbers = #tpu.dot_dimension_numbers<[1], [1], [0], [0], [0, 0, 1, 0], [], []>, transpose_lhs_hint = false} : vector<3072x256xf32>, vector<128x256xf32>, vector<3072x128xf32> -> vector<3072x128xf32>
    %sub3A_95 = vector.broadcast %get3A_6 : vector<3072x1xf32> to vector<3072x128xf32>
    %sub3A_96 = arith.subf %sub3A_95, %dot_general3A_94 : vector<3072x128xf32>
    %slice3A_97 = vector.extract_strided_slice %get3A_12 {offsets = [0, 896], sizes = [1, 128], strides = [1, 1]} : vector<1x8192xf32> to vector<1x128xf32>
    %add3A_98 = vector.broadcast %slice3A_97 : vector<1x128xf32> to vector<3072x128xf32>
    %add3A_99 = arith.addf %sub3A_96, %add3A_98 : vector<3072x128xf32>
    %lt3A_100 = arith.cmpf olt, %add3A_99, %min3A_88 : vector<3072x128xf32>
    %min3A_101 = arith.minimumf %add3A_99, %min3A_88 : vector<3072x128xf32>
    %jit3A_102 = arith.constant 7 : i32
    %broadcast_in_dim3A_103 = vector.broadcast %jit3A_102 : i32 to vector<3072x128xi32>
    %select_n3A_104 = arith.select %lt3A_100, %broadcast_in_dim3A_103, %select_n3A_91 : vector<3072x128xi1>, vector<3072x128xi32>
    %slice3A_105 = vector.extract_strided_slice %get3A_9 {offsets = [1024, 0], sizes = [128, 256], strides = [1, 1]} : vector<8192x256xf32> to vector<128x256xf32>
    %dot_general3A_106 = arith.constant dense<0.000000e+00> : vector<3072x128xf32>
    %dot_general3A_107 = tpu.matmul %mul3A_3, %slice3A_105, %dot_general3A_106 {dimension_numbers = #tpu.dot_dimension_numbers<[1], [1], [0], [0], [0, 0, 1, 0], [], []>, transpose_lhs_hint = false} : vector<3072x256xf32>, vector<128x256xf32>, vector<3072x128xf32> -> vector<3072x128xf32>
    %sub3A_108 = vector.broadcast %get3A_6 : vector<3072x1xf32> to vector<3072x128xf32>
    %sub3A_109 = arith.subf %sub3A_108, %dot_general3A_107 : vector<3072x128xf32>
    %slice3A_110 = vector.extract_strided_slice %get3A_12 {offsets = [0, 1024], sizes = [1, 128], strides = [1, 1]} : vector<1x8192xf32> to vector<1x128xf32>
    %add3A_111 = vector.broadcast %slice3A_110 : vector<1x128xf32> to vector<3072x128xf32>
    %add3A_112 = arith.addf %sub3A_109, %add3A_111 : vector<3072x128xf32>
    %lt3A_113 = arith.cmpf olt, %add3A_112, %min3A_101 : vector<3072x128xf32>
    %min3A_114 = arith.minimumf %add3A_112, %min3A_101 : vector<3072x128xf32>
    %jit3A_115 = arith.constant 8 : i32
    %broadcast_in_dim3A_116 = vector.broadcast %jit3A_115 : i32 to vector<3072x128xi32>
    %select_n3A_117 = arith.select %lt3A_113, %broadcast_in_dim3A_116, %select_n3A_104 : vector<3072x128xi1>, vector<3072x128xi32>
    %slice3A_118 = vector.extract_strided_slice %get3A_9 {offsets = [1152, 0], sizes = [128, 256], strides = [1, 1]} : vector<8192x256xf32> to vector<128x256xf32>
    %dot_general3A_119 = arith.constant dense<0.000000e+00> : vector<3072x128xf32>
    %dot_general3A_120 = tpu.matmul %mul3A_3, %slice3A_118, %dot_general3A_119 {dimension_numbers = #tpu.dot_dimension_numbers<[1], [1], [0], [0], [0, 0, 1, 0], [], []>, transpose_lhs_hint = false} : vector<3072x256xf32>, vector<128x256xf32>, vector<3072x128xf32> -> vector<3072x128xf32>
    %sub3A_121 = vector.broadcast %get3A_6 : vector<3072x1xf32> to vector<3072x128xf32>
    %sub3A_122 = arith.subf %sub3A_121, %dot_general3A_120 : vector<3072x128xf32>
    %slice3A_123 = vector.extract_strided_slice %get3A_12 {offsets = [0, 1152], sizes = [1, 128], strides = [1, 1]} : vector<1x8192xf32> to vector<1x128xf32>
    %add3A_124 = vector.broadcast %slice3A_123 : vector<1x128xf32> to vector<3072x128xf32>
    %add3A_125 = arith.addf %sub3A_122, %add3A_124 : vector<3072x128xf32>
    %lt3A_126 = arith.cmpf olt, %add3A_125, %min3A_114 : vector<3072x128xf32>
    %min3A_127 = arith.minimumf %add3A_125, %min3A_114 : vector<3072x128xf32>
    %jit3A_128 = arith.constant 9 : i32
    %broadcast_in_dim3A_129 = vector.broadcast %jit3A_128 : i32 to vector<3072x128xi32>
    %select_n3A_130 = arith.select %lt3A_126, %broadcast_in_dim3A_129, %select_n3A_117 : vector<3072x128xi1>, vector<3072x128xi32>
    %slice3A_131 = vector.extract_strided_slice %get3A_9 {offsets = [1280, 0], sizes = [128, 256], strides = [1, 1]} : vector<8192x256xf32> to vector<128x256xf32>
    %dot_general3A_132 = arith.constant dense<0.000000e+00> : vector<3072x128xf32>
    %dot_general3A_133 = tpu.matmul %mul3A_3, %slice3A_131, %dot_general3A_132 {dimension_numbers = #tpu.dot_dimension_numbers<[1], [1], [0], [0], [0, 0, 1, 0], [], []>, transpose_lhs_hint = false} : vector<3072x256xf32>, vector<128x256xf32>, vector<3072x128xf32> -> vector<3072x128xf32>
    %sub3A_134 = vector.broadcast %get3A_6 : vector<3072x1xf32> to vector<3072x128xf32>
    %sub3A_135 = arith.subf %sub3A_134, %dot_general3A_133 : vector<3072x128xf32>
    %slice3A_136 = vector.extract_strided_slice %get3A_12 {offsets = [0, 1280], sizes = [1, 128], strides = [1, 1]} : vector<1x8192xf32> to vector<1x128xf32>
    %add3A_137 = vector.broadcast %slice3A_136 : vector<1x128xf32> to vector<3072x128xf32>
    %add3A_138 = arith.addf %sub3A_135, %add3A_137 : vector<3072x128xf32>
    %lt3A_139 = arith.cmpf olt, %add3A_138, %min3A_127 : vector<3072x128xf32>
    %min3A_140 = arith.minimumf %add3A_138, %min3A_127 : vector<3072x128xf32>
    %jit3A_141 = arith.constant 10 : i32
    %broadcast_in_dim3A_142 = vector.broadcast %jit3A_141 : i32 to vector<3072x128xi32>
    %select_n3A_143 = arith.select %lt3A_139, %broadcast_in_dim3A_142, %select_n3A_130 : vector<3072x128xi1>, vector<3072x128xi32>
    %slice3A_144 = vector.extract_strided_slice %get3A_9 {offsets = [1408, 0], sizes = [128, 256], strides = [1, 1]} : vector<8192x256xf32> to vector<128x256xf32>
    %dot_general3A_145 = arith.constant dense<0.000000e+00> : vector<3072x128xf32>
    %dot_general3A_146 = tpu.matmul %mul3A_3, %slice3A_144, %dot_general3A_145 {dimension_numbers = #tpu.dot_dimension_numbers<[1], [1], [0], [0], [0, 0, 1, 0], [], []>, transpose_lhs_hint = false} : vector<3072x256xf32>, vector<128x256xf32>, vector<3072x128xf32> -> vector<3072x128xf32>
    %sub3A_147 = vector.broadcast %get3A_6 : vector<3072x1xf32> to vector<3072x128xf32>
    %sub3A_148 = arith.subf %sub3A_147, %dot_general3A_146 : vector<3072x128xf32>
    %slice3A_149 = vector.extract_strided_slice %get3A_12 {offsets = [0, 1408], sizes = [1, 128], strides = [1, 1]} : vector<1x8192xf32> to vector<1x128xf32>
    %add3A_150 = vector.broadcast %slice3A_149 : vector<1x128xf32> to vector<3072x128xf32>
    %add3A_151 = arith.addf %sub3A_148, %add3A_150 : vector<3072x128xf32>
    %lt3A_152 = arith.cmpf olt, %add3A_151, %min3A_140 : vector<3072x128xf32>
    %min3A_153 = arith.minimumf %add3A_151, %min3A_140 : vector<3072x128xf32>
    %jit3A_154 = arith.constant 11 : i32
    %broadcast_in_dim3A_155 = vector.broadcast %jit3A_154 : i32 to vector<3072x128xi32>
    %select_n3A_156 = arith.select %lt3A_152, %broadcast_in_dim3A_155, %select_n3A_143 : vector<3072x128xi1>, vector<3072x128xi32>
    %slice3A_157 = vector.extract_strided_slice %get3A_9 {offsets = [1536, 0], sizes = [128, 256], strides = [1, 1]} : vector<8192x256xf32> to vector<128x256xf32>
    %dot_general3A_158 = arith.constant dense<0.000000e+00> : vector<3072x128xf32>
    %dot_general3A_159 = tpu.matmul %mul3A_3, %slice3A_157, %dot_general3A_158 {dimension_numbers = #tpu.dot_dimension_numbers<[1], [1], [0], [0], [0, 0, 1, 0], [], []>, transpose_lhs_hint = false} : vector<3072x256xf32>, vector<128x256xf32>, vector<3072x128xf32> -> vector<3072x128xf32>
    %sub3A_160 = vector.broadcast %get3A_6 : vector<3072x1xf32> to vector<3072x128xf32>
    %sub3A_161 = arith.subf %sub3A_160, %dot_general3A_159 : vector<3072x128xf32>
    %slice3A_162 = vector.extract_strided_slice %get3A_12 {offsets = [0, 1536], sizes = [1, 128], strides = [1, 1]} : vector<1x8192xf32> to vector<1x128xf32>
    %add3A_163 = vector.broadcast %slice3A_162 : vector<1x128xf32> to vector<3072x128xf32>
    %add3A_164 = arith.addf %sub3A_161, %add3A_163 : vector<3072x128xf32>
    %lt3A_165 = arith.cmpf olt, %add3A_164, %min3A_153 : vector<3072x128xf32>
    %min3A_166 = arith.minimumf %add3A_164, %min3A_153 : vector<3072x128xf32>
    %jit3A_167 = arith.constant 12 : i32
    %broadcast_in_dim3A_168 = vector.broadcast %jit3A_167 : i32 to vector<3072x128xi32>
    %select_n3A_169 = arith.select %lt3A_165, %broadcast_in_dim3A_168, %select_n3A_156 : vector<3072x128xi1>, vector<3072x128xi32>
    %slice3A_170 = vector.extract_strided_slice %get3A_9 {offsets = [1664, 0], sizes = [128, 256], strides = [1, 1]} : vector<8192x256xf32> to vector<128x256xf32>
    %dot_general3A_171 = arith.constant dense<0.000000e+00> : vector<3072x128xf32>
    %dot_general3A_172 = tpu.matmul %mul3A_3, %slice3A_170, %dot_general3A_171 {dimension_numbers = #tpu.dot_dimension_numbers<[1], [1], [0], [0], [0, 0, 1, 0], [], []>, transpose_lhs_hint = false} : vector<3072x256xf32>, vector<128x256xf32>, vector<3072x128xf32> -> vector<3072x128xf32>
    %sub3A_173 = vector.broadcast %get3A_6 : vector<3072x1xf32> to vector<3072x128xf32>
    %sub3A_174 = arith.subf %sub3A_173, %dot_general3A_172 : vector<3072x128xf32>
    %slice3A_175 = vector.extract_strided_slice %get3A_12 {offsets = [0, 1664], sizes = [1, 128], strides = [1, 1]} : vector<1x8192xf32> to vector<1x128xf32>
    %add3A_176 = vector.broadcast %slice3A_175 : vector<1x128xf32> to vector<3072x128xf32>
    %add3A_177 = arith.addf %sub3A_174, %add3A_176 : vector<3072x128xf32>
    %lt3A_178 = arith.cmpf olt, %add3A_177, %min3A_166 : vector<3072x128xf32>
    %min3A_179 = arith.minimumf %add3A_177, %min3A_166 : vector<3072x128xf32>
    %jit3A_180 = arith.constant 13 : i32
    %broadcast_in_dim3A_181 = vector.broadcast %jit3A_180 : i32 to vector<3072x128xi32>
    %select_n3A_182 = arith.select %lt3A_178, %broadcast_in_dim3A_181, %select_n3A_169 : vector<3072x128xi1>, vector<3072x128xi32>
    %slice3A_183 = vector.extract_strided_slice %get3A_9 {offsets = [1792, 0], sizes = [128, 256], strides = [1, 1]} : vector<8192x256xf32> to vector<128x256xf32>
    %dot_general3A_184 = arith.constant dense<0.000000e+00> : vector<3072x128xf32>
    %dot_general3A_185 = tpu.matmul %mul3A_3, %slice3A_183, %dot_general3A_184 {dimension_numbers = #tpu.dot_dimension_numbers<[1], [1], [0], [0], [0, 0, 1, 0], [], []>, transpose_lhs_hint = false} : vector<3072x256xf32>, vector<128x256xf32>, vector<3072x128xf32> -> vector<3072x128xf32>
    %sub3A_186 = vector.broadcast %get3A_6 : vector<3072x1xf32> to vector<3072x128xf32>
    %sub3A_187 = arith.subf %sub3A_186, %dot_general3A_185 : vector<3072x128xf32>
    %slice3A_188 = vector.extract_strided_slice %get3A_12 {offsets = [0, 1792], sizes = [1, 128], strides = [1, 1]} : vector<1x8192xf32> to vector<1x128xf32>
    %add3A_189 = vector.broadcast %slice3A_188 : vector<1x128xf32> to vector<3072x128xf32>
    %add3A_190 = arith.addf %sub3A_187, %add3A_189 : vector<3072x128xf32>
    %lt3A_191 = arith.cmpf olt, %add3A_190, %min3A_179 : vector<3072x128xf32>
    %min3A_192 = arith.minimumf %add3A_190, %min3A_179 : vector<3072x128xf32>
    %jit3A_193 = arith.constant 14 : i32
    %broadcast_in_dim3A_194 = vector.broadcast %jit3A_193 : i32 to vector<3072x128xi32>
    %select_n3A_195 = arith.select %lt3A_191, %broadcast_in_dim3A_194, %select_n3A_182 : vector<3072x128xi1>, vector<3072x128xi32>
    %slice3A_196 = vector.extract_strided_slice %get3A_9 {offsets = [1920, 0], sizes = [128, 256], strides = [1, 1]} : vector<8192x256xf32> to vector<128x256xf32>
    %dot_general3A_197 = arith.constant dense<0.000000e+00> : vector<3072x128xf32>
    %dot_general3A_198 = tpu.matmul %mul3A_3, %slice3A_196, %dot_general3A_197 {dimension_numbers = #tpu.dot_dimension_numbers<[1], [1], [0], [0], [0, 0, 1, 0], [], []>, transpose_lhs_hint = false} : vector<3072x256xf32>, vector<128x256xf32>, vector<3072x128xf32> -> vector<3072x128xf32>
    %sub3A_199 = vector.broadcast %get3A_6 : vector<3072x1xf32> to vector<3072x128xf32>
    %sub3A_200 = arith.subf %sub3A_199, %dot_general3A_198 : vector<3072x128xf32>
    %slice3A_201 = vector.extract_strided_slice %get3A_12 {offsets = [0, 1920], sizes = [1, 128], strides = [1, 1]} : vector<1x8192xf32> to vector<1x128xf32>
    %add3A_202 = vector.broadcast %slice3A_201 : vector<1x128xf32> to vector<3072x128xf32>
    %add3A_203 = arith.addf %sub3A_200, %add3A_202 : vector<3072x128xf32>
    %lt3A_204 = arith.cmpf olt, %add3A_203, %min3A_192 : vector<3072x128xf32>
    %min3A_205 = arith.minimumf %add3A_203, %min3A_192 : vector<3072x128xf32>
    %jit3A_206 = arith.constant 15 : i32
    %broadcast_in_dim3A_207 = vector.broadcast %jit3A_206 : i32 to vector<3072x128xi32>
    %select_n3A_208 = arith.select %lt3A_204, %broadcast_in_dim3A_207, %select_n3A_195 : vector<3072x128xi1>, vector<3072x128xi32>
    %slice3A_209 = vector.extract_strided_slice %get3A_9 {offsets = [2048, 0], sizes = [128, 256], strides = [1, 1]} : vector<8192x256xf32> to vector<128x256xf32>
    %dot_general3A_210 = arith.constant dense<0.000000e+00> : vector<3072x128xf32>
    %dot_general3A_211 = tpu.matmul %mul3A_3, %slice3A_209, %dot_general3A_210 {dimension_numbers = #tpu.dot_dimension_numbers<[1], [1], [0], [0], [0, 0, 1, 0], [], []>, transpose_lhs_hint = false} : vector<3072x256xf32>, vector<128x256xf32>, vector<3072x128xf32> -> vector<3072x128xf32>
    %sub3A_212 = vector.broadcast %get3A_6 : vector<3072x1xf32> to vector<3072x128xf32>
    %sub3A_213 = arith.subf %sub3A_212, %dot_general3A_211 : vector<3072x128xf32>
    %slice3A_214 = vector.extract_strided_slice %get3A_12 {offsets = [0, 2048], sizes = [1, 128], strides = [1, 1]} : vector<1x8192xf32> to vector<1x128xf32>
    %add3A_215 = vector.broadcast %slice3A_214 : vector<1x128xf32> to vector<3072x128xf32>
    %add3A_216 = arith.addf %sub3A_213, %add3A_215 : vector<3072x128xf32>
    %lt3A_217 = arith.cmpf olt, %add3A_216, %min3A_205 : vector<3072x128xf32>
    %min3A_218 = arith.minimumf %add3A_216, %min3A_205 : vector<3072x128xf32>
    %jit3A_219 = arith.constant 16 : i32
    %broadcast_in_dim3A_220 = vector.broadcast %jit3A_219 : i32 to vector<3072x128xi32>
    %select_n3A_221 = arith.select %lt3A_217, %broadcast_in_dim3A_220, %select_n3A_208 : vector<3072x128xi1>, vector<3072x128xi32>
    %slice3A_222 = vector.extract_strided_slice %get3A_9 {offsets = [2176, 0], sizes = [128, 256], strides = [1, 1]} : vector<8192x256xf32> to vector<128x256xf32>
    %dot_general3A_223 = arith.constant dense<0.000000e+00> : vector<3072x128xf32>
    %dot_general3A_224 = tpu.matmul %mul3A_3, %slice3A_222, %dot_general3A_223 {dimension_numbers = #tpu.dot_dimension_numbers<[1], [1], [0], [0], [0, 0, 1, 0], [], []>, transpose_lhs_hint = false} : vector<3072x256xf32>, vector<128x256xf32>, vector<3072x128xf32> -> vector<3072x128xf32>
    %sub3A_225 = vector.broadcast %get3A_6 : vector<3072x1xf32> to vector<3072x128xf32>
    %sub3A_226 = arith.subf %sub3A_225, %dot_general3A_224 : vector<3072x128xf32>
    %slice3A_227 = vector.extract_strided_slice %get3A_12 {offsets = [0, 2176], sizes = [1, 128], strides = [1, 1]} : vector<1x8192xf32> to vector<1x128xf32>
    %add3A_228 = vector.broadcast %slice3A_227 : vector<1x128xf32> to vector<3072x128xf32>
    %add3A_229 = arith.addf %sub3A_226, %add3A_228 : vector<3072x128xf32>
    %lt3A_230 = arith.cmpf olt, %add3A_229, %min3A_218 : vector<3072x128xf32>
    %min3A_231 = arith.minimumf %add3A_229, %min3A_218 : vector<3072x128xf32>
    %jit3A_232 = arith.constant 17 : i32
    %broadcast_in_dim3A_233 = vector.broadcast %jit3A_232 : i32 to vector<3072x128xi32>
    %select_n3A_234 = arith.select %lt3A_230, %broadcast_in_dim3A_233, %select_n3A_221 : vector<3072x128xi1>, vector<3072x128xi32>
    %slice3A_235 = vector.extract_strided_slice %get3A_9 {offsets = [2304, 0], sizes = [128, 256], strides = [1, 1]} : vector<8192x256xf32> to vector<128x256xf32>
    %dot_general3A_236 = arith.constant dense<0.000000e+00> : vector<3072x128xf32>
    %dot_general3A_237 = tpu.matmul %mul3A_3, %slice3A_235, %dot_general3A_236 {dimension_numbers = #tpu.dot_dimension_numbers<[1], [1], [0], [0], [0, 0, 1, 0], [], []>, transpose_lhs_hint = false} : vector<3072x256xf32>, vector<128x256xf32>, vector<3072x128xf32> -> vector<3072x128xf32>
    %sub3A_238 = vector.broadcast %get3A_6 : vector<3072x1xf32> to vector<3072x128xf32>
    %sub3A_239 = arith.subf %sub3A_238, %dot_general3A_237 : vector<3072x128xf32>
    %slice3A_240 = vector.extract_strided_slice %get3A_12 {offsets = [0, 2304], sizes = [1, 128], strides = [1, 1]} : vector<1x8192xf32> to vector<1x128xf32>
    %add3A_241 = vector.broadcast %slice3A_240 : vector<1x128xf32> to vector<3072x128xf32>
    %add3A_242 = arith.addf %sub3A_239, %add3A_241 : vector<3072x128xf32>
    %lt3A_243 = arith.cmpf olt, %add3A_242, %min3A_231 : vector<3072x128xf32>
    %min3A_244 = arith.minimumf %add3A_242, %min3A_231 : vector<3072x128xf32>
    %jit3A_245 = arith.constant 18 : i32
    %broadcast_in_dim3A_246 = vector.broadcast %jit3A_245 : i32 to vector<3072x128xi32>
    %select_n3A_247 = arith.select %lt3A_243, %broadcast_in_dim3A_246, %select_n3A_234 : vector<3072x128xi1>, vector<3072x128xi32>
    %slice3A_248 = vector.extract_strided_slice %get3A_9 {offsets = [2432, 0], sizes = [128, 256], strides = [1, 1]} : vector<8192x256xf32> to vector<128x256xf32>
    %dot_general3A_249 = arith.constant dense<0.000000e+00> : vector<3072x128xf32>
    %dot_general3A_250 = tpu.matmul %mul3A_3, %slice3A_248, %dot_general3A_249 {dimension_numbers = #tpu.dot_dimension_numbers<[1], [1], [0], [0], [0, 0, 1, 0], [], []>, transpose_lhs_hint = false} : vector<3072x256xf32>, vector<128x256xf32>, vector<3072x128xf32> -> vector<3072x128xf32>
    %sub3A_251 = vector.broadcast %get3A_6 : vector<3072x1xf32> to vector<3072x128xf32>
    %sub3A_252 = arith.subf %sub3A_251, %dot_general3A_250 : vector<3072x128xf32>
    %slice3A_253 = vector.extract_strided_slice %get3A_12 {offsets = [0, 2432], sizes = [1, 128], strides = [1, 1]} : vector<1x8192xf32> to vector<1x128xf32>
    %add3A_254 = vector.broadcast %slice3A_253 : vector<1x128xf32> to vector<3072x128xf32>
    %add3A_255 = arith.addf %sub3A_252, %add3A_254 : vector<3072x128xf32>
    %lt3A_256 = arith.cmpf olt, %add3A_255, %min3A_244 : vector<3072x128xf32>
    %min3A_257 = arith.minimumf %add3A_255, %min3A_244 : vector<3072x128xf32>
    %jit3A_258 = arith.constant 19 : i32
    %broadcast_in_dim3A_259 = vector.broadcast %jit3A_258 : i32 to vector<3072x128xi32>
    %select_n3A_260 = arith.select %lt3A_256, %broadcast_in_dim3A_259, %select_n3A_247 : vector<3072x128xi1>, vector<3072x128xi32>
    %slice3A_261 = vector.extract_strided_slice %get3A_9 {offsets = [2560, 0], sizes = [128, 256], strides = [1, 1]} : vector<8192x256xf32> to vector<128x256xf32>
    %dot_general3A_262 = arith.constant dense<0.000000e+00> : vector<3072x128xf32>
    %dot_general3A_263 = tpu.matmul %mul3A_3, %slice3A_261, %dot_general3A_262 {dimension_numbers = #tpu.dot_dimension_numbers<[1], [1], [0], [0], [0, 0, 1, 0], [], []>, transpose_lhs_hint = false} : vector<3072x256xf32>, vector<128x256xf32>, vector<3072x128xf32> -> vector<3072x128xf32>
    %sub3A_264 = vector.broadcast %get3A_6 : vector<3072x1xf32> to vector<3072x128xf32>
    %sub3A_265 = arith.subf %sub3A_264, %dot_general3A_263 : vector<3072x128xf32>
    %slice3A_266 = vector.extract_strided_slice %get3A_12 {offsets = [0, 2560], sizes = [1, 128], strides = [1, 1]} : vector<1x8192xf32> to vector<1x128xf32>
    %add3A_267 = vector.broadcast %slice3A_266 : vector<1x128xf32> to vector<3072x128xf32>
    %add3A_268 = arith.addf %sub3A_265, %add3A_267 : vector<3072x128xf32>
    %lt3A_269 = arith.cmpf olt, %add3A_268, %min3A_257 : vector<3072x128xf32>
    %min3A_270 = arith.minimumf %add3A_268, %min3A_257 : vector<3072x128xf32>
    %jit3A_271 = arith.constant 20 : i32
    %broadcast_in_dim3A_272 = vector.broadcast %jit3A_271 : i32 to vector<3072x128xi32>
    %select_n3A_273 = arith.select %lt3A_269, %broadcast_in_dim3A_272, %select_n3A_260 : vector<3072x128xi1>, vector<3072x128xi32>
    %slice3A_274 = vector.extract_strided_slice %get3A_9 {offsets = [2688, 0], sizes = [128, 256], strides = [1, 1]} : vector<8192x256xf32> to vector<128x256xf32>
    %dot_general3A_275 = arith.constant dense<0.000000e+00> : vector<3072x128xf32>
    %dot_general3A_276 = tpu.matmul %mul3A_3, %slice3A_274, %dot_general3A_275 {dimension_numbers = #tpu.dot_dimension_numbers<[1], [1], [0], [0], [0, 0, 1, 0], [], []>, transpose_lhs_hint = false} : vector<3072x256xf32>, vector<128x256xf32>, vector<3072x128xf32> -> vector<3072x128xf32>
    %sub3A_277 = vector.broadcast %get3A_6 : vector<3072x1xf32> to vector<3072x128xf32>
    %sub3A_278 = arith.subf %sub3A_277, %dot_general3A_276 : vector<3072x128xf32>
    %slice3A_279 = vector.extract_strided_slice %get3A_12 {offsets = [0, 2688], sizes = [1, 128], strides = [1, 1]} : vector<1x8192xf32> to vector<1x128xf32>
    %add3A_280 = vector.broadcast %slice3A_279 : vector<1x128xf32> to vector<3072x128xf32>
    %add3A_281 = arith.addf %sub3A_278, %add3A_280 : vector<3072x128xf32>
    %lt3A_282 = arith.cmpf olt, %add3A_281, %min3A_270 : vector<3072x128xf32>
    %min3A_283 = arith.minimumf %add3A_281, %min3A_270 : vector<3072x128xf32>
    %jit3A_284 = arith.constant 21 : i32
    %broadcast_in_dim3A_285 = vector.broadcast %jit3A_284 : i32 to vector<3072x128xi32>
    %select_n3A_286 = arith.select %lt3A_282, %broadcast_in_dim3A_285, %select_n3A_273 : vector<3072x128xi1>, vector<3072x128xi32>
    %slice3A_287 = vector.extract_strided_slice %get3A_9 {offsets = [2816, 0], sizes = [128, 256], strides = [1, 1]} : vector<8192x256xf32> to vector<128x256xf32>
    %dot_general3A_288 = arith.constant dense<0.000000e+00> : vector<3072x128xf32>
    %dot_general3A_289 = tpu.matmul %mul3A_3, %slice3A_287, %dot_general3A_288 {dimension_numbers = #tpu.dot_dimension_numbers<[1], [1], [0], [0], [0, 0, 1, 0], [], []>, transpose_lhs_hint = false} : vector<3072x256xf32>, vector<128x256xf32>, vector<3072x128xf32> -> vector<3072x128xf32>
    %sub3A_290 = vector.broadcast %get3A_6 : vector<3072x1xf32> to vector<3072x128xf32>
    %sub3A_291 = arith.subf %sub3A_290, %dot_general3A_289 : vector<3072x128xf32>
    %slice3A_292 = vector.extract_strided_slice %get3A_12 {offsets = [0, 2816], sizes = [1, 128], strides = [1, 1]} : vector<1x8192xf32> to vector<1x128xf32>
    %add3A_293 = vector.broadcast %slice3A_292 : vector<1x128xf32> to vector<3072x128xf32>
    %add3A_294 = arith.addf %sub3A_291, %add3A_293 : vector<3072x128xf32>
    %lt3A_295 = arith.cmpf olt, %add3A_294, %min3A_283 : vector<3072x128xf32>
    %min3A_296 = arith.minimumf %add3A_294, %min3A_283 : vector<3072x128xf32>
    %jit3A_297 = arith.constant 22 : i32
    %broadcast_in_dim3A_298 = vector.broadcast %jit3A_297 : i32 to vector<3072x128xi32>
    %select_n3A_299 = arith.select %lt3A_295, %broadcast_in_dim3A_298, %select_n3A_286 : vector<3072x128xi1>, vector<3072x128xi32>
    %slice3A_300 = vector.extract_strided_slice %get3A_9 {offsets = [2944, 0], sizes = [128, 256], strides = [1, 1]} : vector<8192x256xf32> to vector<128x256xf32>
    %dot_general3A_301 = arith.constant dense<0.000000e+00> : vector<3072x128xf32>
    %dot_general3A_302 = tpu.matmul %mul3A_3, %slice3A_300, %dot_general3A_301 {dimension_numbers = #tpu.dot_dimension_numbers<[1], [1], [0], [0], [0, 0, 1, 0], [], []>, transpose_lhs_hint = false} : vector<3072x256xf32>, vector<128x256xf32>, vector<3072x128xf32> -> vector<3072x128xf32>
    %sub3A_303 = vector.broadcast %get3A_6 : vector<3072x1xf32> to vector<3072x128xf32>
    %sub3A_304 = arith.subf %sub3A_303, %dot_general3A_302 : vector<3072x128xf32>
    %slice3A_305 = vector.extract_strided_slice %get3A_12 {offsets = [0, 2944], sizes = [1, 128], strides = [1, 1]} : vector<1x8192xf32> to vector<1x128xf32>
    %add3A_306 = vector.broadcast %slice3A_305 : vector<1x128xf32> to vector<3072x128xf32>
    %add3A_307 = arith.addf %sub3A_304, %add3A_306 : vector<3072x128xf32>
    %lt3A_308 = arith.cmpf olt, %add3A_307, %min3A_296 : vector<3072x128xf32>
    %min3A_309 = arith.minimumf %add3A_307, %min3A_296 : vector<3072x128xf32>
    %jit3A_310 = arith.constant 23 : i32
    %broadcast_in_dim3A_311 = vector.broadcast %jit3A_310 : i32 to vector<3072x128xi32>
    %select_n3A_312 = arith.select %lt3A_308, %broadcast_in_dim3A_311, %select_n3A_299 : vector<3072x128xi1>, vector<3072x128xi32>
    %slice3A_313 = vector.extract_strided_slice %get3A_9 {offsets = [3072, 0], sizes = [128, 256], strides = [1, 1]} : vector<8192x256xf32> to vector<128x256xf32>
    %dot_general3A_314 = arith.constant dense<0.000000e+00> : vector<3072x128xf32>
    %dot_general3A_315 = tpu.matmul %mul3A_3, %slice3A_313, %dot_general3A_314 {dimension_numbers = #tpu.dot_dimension_numbers<[1], [1], [0], [0], [0, 0, 1, 0], [], []>, transpose_lhs_hint = false} : vector<3072x256xf32>, vector<128x256xf32>, vector<3072x128xf32> -> vector<3072x128xf32>
    %sub3A_316 = vector.broadcast %get3A_6 : vector<3072x1xf32> to vector<3072x128xf32>
    %sub3A_317 = arith.subf %sub3A_316, %dot_general3A_315 : vector<3072x128xf32>
    %slice3A_318 = vector.extract_strided_slice %get3A_12 {offsets = [0, 3072], sizes = [1, 128], strides = [1, 1]} : vector<1x8192xf32> to vector<1x128xf32>
    %add3A_319 = vector.broadcast %slice3A_318 : vector<1x128xf32> to vector<3072x128xf32>
    %add3A_320 = arith.addf %sub3A_317, %add3A_319 : vector<3072x128xf32>
    %lt3A_321 = arith.cmpf olt, %add3A_320, %min3A_309 : vector<3072x128xf32>
    %min3A_322 = arith.minimumf %add3A_320, %min3A_309 : vector<3072x128xf32>
    %jit3A_323 = arith.constant 24 : i32
    %broadcast_in_dim3A_324 = vector.broadcast %jit3A_323 : i32 to vector<3072x128xi32>
    %select_n3A_325 = arith.select %lt3A_321, %broadcast_in_dim3A_324, %select_n3A_312 : vector<3072x128xi1>, vector<3072x128xi32>
    %slice3A_326 = vector.extract_strided_slice %get3A_9 {offsets = [3200, 0], sizes = [128, 256], strides = [1, 1]} : vector<8192x256xf32> to vector<128x256xf32>
    %dot_general3A_327 = arith.constant dense<0.000000e+00> : vector<3072x128xf32>
    %dot_general3A_328 = tpu.matmul %mul3A_3, %slice3A_326, %dot_general3A_327 {dimension_numbers = #tpu.dot_dimension_numbers<[1], [1], [0], [0], [0, 0, 1, 0], [], []>, transpose_lhs_hint = false} : vector<3072x256xf32>, vector<128x256xf32>, vector<3072x128xf32> -> vector<3072x128xf32>
    %sub3A_329 = vector.broadcast %get3A_6 : vector<3072x1xf32> to vector<3072x128xf32>
    %sub3A_330 = arith.subf %sub3A_329, %dot_general3A_328 : vector<3072x128xf32>
    %slice3A_331 = vector.extract_strided_slice %get3A_12 {offsets = [0, 3200], sizes = [1, 128], strides = [1, 1]} : vector<1x8192xf32> to vector<1x128xf32>
    %add3A_332 = vector.broadcast %slice3A_331 : vector<1x128xf32> to vector<3072x128xf32>
    %add3A_333 = arith.addf %sub3A_330, %add3A_332 : vector<3072x128xf32>
    %lt3A_334 = arith.cmpf olt, %add3A_333, %min3A_322 : vector<3072x128xf32>
    %min3A_335 = arith.minimumf %add3A_333, %min3A_322 : vector<3072x128xf32>
    %jit3A_336 = arith.constant 25 : i32
    %broadcast_in_dim3A_337 = vector.broadcast %jit3A_336 : i32 to vector<3072x128xi32>
    %select_n3A_338 = arith.select %lt3A_334, %broadcast_in_dim3A_337, %select_n3A_325 : vector<3072x128xi1>, vector<3072x128xi32>
    %slice3A_339 = vector.extract_strided_slice %get3A_9 {offsets = [3328, 0], sizes = [128, 256], strides = [1, 1]} : vector<8192x256xf32> to vector<128x256xf32>
    %dot_general3A_340 = arith.constant dense<0.000000e+00> : vector<3072x128xf32>
    %dot_general3A_341 = tpu.matmul %mul3A_3, %slice3A_339, %dot_general3A_340 {dimension_numbers = #tpu.dot_dimension_numbers<[1], [1], [0], [0], [0, 0, 1, 0], [], []>, transpose_lhs_hint = false} : vector<3072x256xf32>, vector<128x256xf32>, vector<3072x128xf32> -> vector<3072x128xf32>
    %sub3A_342 = vector.broadcast %get3A_6 : vector<3072x1xf32> to vector<3072x128xf32>
    %sub3A_343 = arith.subf %sub3A_342, %dot_general3A_341 : vector<3072x128xf32>
    %slice3A_344 = vector.extract_strided_slice %get3A_12 {offsets = [0, 3328], sizes = [1, 128], strides = [1, 1]} : vector<1x8192xf32> to vector<1x128xf32>
    %add3A_345 = vector.broadcast %slice3A_344 : vector<1x128xf32> to vector<3072x128xf32>
    %add3A_346 = arith.addf %sub3A_343, %add3A_345 : vector<3072x128xf32>
    %lt3A_347 = arith.cmpf olt, %add3A_346, %min3A_335 : vector<3072x128xf32>
    %min3A_348 = arith.minimumf %add3A_346, %min3A_335 : vector<3072x128xf32>
    %jit3A_349 = arith.constant 26 : i32
    %broadcast_in_dim3A_350 = vector.broadcast %jit3A_349 : i32 to vector<3072x128xi32>
    %select_n3A_351 = arith.select %lt3A_347, %broadcast_in_dim3A_350, %select_n3A_338 : vector<3072x128xi1>, vector<3072x128xi32>
    %slice3A_352 = vector.extract_strided_slice %get3A_9 {offsets = [3456, 0], sizes = [128, 256], strides = [1, 1]} : vector<8192x256xf32> to vector<128x256xf32>
    %dot_general3A_353 = arith.constant dense<0.000000e+00> : vector<3072x128xf32>
    %dot_general3A_354 = tpu.matmul %mul3A_3, %slice3A_352, %dot_general3A_353 {dimension_numbers = #tpu.dot_dimension_numbers<[1], [1], [0], [0], [0, 0, 1, 0], [], []>, transpose_lhs_hint = false} : vector<3072x256xf32>, vector<128x256xf32>, vector<3072x128xf32> -> vector<3072x128xf32>
    %sub3A_355 = vector.broadcast %get3A_6 : vector<3072x1xf32> to vector<3072x128xf32>
    %sub3A_356 = arith.subf %sub3A_355, %dot_general3A_354 : vector<3072x128xf32>
    %slice3A_357 = vector.extract_strided_slice %get3A_12 {offsets = [0, 3456], sizes = [1, 128], strides = [1, 1]} : vector<1x8192xf32> to vector<1x128xf32>
    %add3A_358 = vector.broadcast %slice3A_357 : vector<1x128xf32> to vector<3072x128xf32>
    %add3A_359 = arith.addf %sub3A_356, %add3A_358 : vector<3072x128xf32>
    %lt3A_360 = arith.cmpf olt, %add3A_359, %min3A_348 : vector<3072x128xf32>
    %min3A_361 = arith.minimumf %add3A_359, %min3A_348 : vector<3072x128xf32>
    %jit3A_362 = arith.constant 27 : i32
    %broadcast_in_dim3A_363 = vector.broadcast %jit3A_362 : i32 to vector<3072x128xi32>
    %select_n3A_364 = arith.select %lt3A_360, %broadcast_in_dim3A_363, %select_n3A_351 : vector<3072x128xi1>, vector<3072x128xi32>
    %slice3A_365 = vector.extract_strided_slice %get3A_9 {offsets = [3584, 0], sizes = [128, 256], strides = [1, 1]} : vector<8192x256xf32> to vector<128x256xf32>
    %dot_general3A_366 = arith.constant dense<0.000000e+00> : vector<3072x128xf32>
    %dot_general3A_367 = tpu.matmul %mul3A_3, %slice3A_365, %dot_general3A_366 {dimension_numbers = #tpu.dot_dimension_numbers<[1], [1], [0], [0], [0, 0, 1, 0], [], []>, transpose_lhs_hint = false} : vector<3072x256xf32>, vector<128x256xf32>, vector<3072x128xf32> -> vector<3072x128xf32>
    %sub3A_368 = vector.broadcast %get3A_6 : vector<3072x1xf32> to vector<3072x128xf32>
    %sub3A_369 = arith.subf %sub3A_368, %dot_general3A_367 : vector<3072x128xf32>
    %slice3A_370 = vector.extract_strided_slice %get3A_12 {offsets = [0, 3584], sizes = [1, 128], strides = [1, 1]} : vector<1x8192xf32> to vector<1x128xf32>
    %add3A_371 = vector.broadcast %slice3A_370 : vector<1x128xf32> to vector<3072x128xf32>
    %add3A_372 = arith.addf %sub3A_369, %add3A_371 : vector<3072x128xf32>
    %lt3A_373 = arith.cmpf olt, %add3A_372, %min3A_361 : vector<3072x128xf32>
    %min3A_374 = arith.minimumf %add3A_372, %min3A_361 : vector<3072x128xf32>
    %jit3A_375 = arith.constant 28 : i32
    %broadcast_in_dim3A_376 = vector.broadcast %jit3A_375 : i32 to vector<3072x128xi32>
    %select_n3A_377 = arith.select %lt3A_373, %broadcast_in_dim3A_376, %select_n3A_364 : vector<3072x128xi1>, vector<3072x128xi32>
    %slice3A_378 = vector.extract_strided_slice %get3A_9 {offsets = [3712, 0], sizes = [128, 256], strides = [1, 1]} : vector<8192x256xf32> to vector<128x256xf32>
    %dot_general3A_379 = arith.constant dense<0.000000e+00> : vector<3072x128xf32>
    %dot_general3A_380 = tpu.matmul %mul3A_3, %slice3A_378, %dot_general3A_379 {dimension_numbers = #tpu.dot_dimension_numbers<[1], [1], [0], [0], [0, 0, 1, 0], [], []>, transpose_lhs_hint = false} : vector<3072x256xf32>, vector<128x256xf32>, vector<3072x128xf32> -> vector<3072x128xf32>
    %sub3A_381 = vector.broadcast %get3A_6 : vector<3072x1xf32> to vector<3072x128xf32>
    %sub3A_382 = arith.subf %sub3A_381, %dot_general3A_380 : vector<3072x128xf32>
    %slice3A_383 = vector.extract_strided_slice %get3A_12 {offsets = [0, 3712], sizes = [1, 128], strides = [1, 1]} : vector<1x8192xf32> to vector<1x128xf32>
    %add3A_384 = vector.broadcast %slice3A_383 : vector<1x128xf32> to vector<3072x128xf32>
    %add3A_385 = arith.addf %sub3A_382, %add3A_384 : vector<3072x128xf32>
    %lt3A_386 = arith.cmpf olt, %add3A_385, %min3A_374 : vector<3072x128xf32>
    %min3A_387 = arith.minimumf %add3A_385, %min3A_374 : vector<3072x128xf32>
    %jit3A_388 = arith.constant 29 : i32
    %broadcast_in_dim3A_389 = vector.broadcast %jit3A_388 : i32 to vector<3072x128xi32>
    %select_n3A_390 = arith.select %lt3A_386, %broadcast_in_dim3A_389, %select_n3A_377 : vector<3072x128xi1>, vector<3072x128xi32>
    %slice3A_391 = vector.extract_strided_slice %get3A_9 {offsets = [3840, 0], sizes = [128, 256], strides = [1, 1]} : vector<8192x256xf32> to vector<128x256xf32>
    %dot_general3A_392 = arith.constant dense<0.000000e+00> : vector<3072x128xf32>
    %dot_general3A_393 = tpu.matmul %mul3A_3, %slice3A_391, %dot_general3A_392 {dimension_numbers = #tpu.dot_dimension_numbers<[1], [1], [0], [0], [0, 0, 1, 0], [], []>, transpose_lhs_hint = false} : vector<3072x256xf32>, vector<128x256xf32>, vector<3072x128xf32> -> vector<3072x128xf32>
    %sub3A_394 = vector.broadcast %get3A_6 : vector<3072x1xf32> to vector<3072x128xf32>
    %sub3A_395 = arith.subf %sub3A_394, %dot_general3A_393 : vector<3072x128xf32>
    %slice3A_396 = vector.extract_strided_slice %get3A_12 {offsets = [0, 3840], sizes = [1, 128], strides = [1, 1]} : vector<1x8192xf32> to vector<1x128xf32>
    %add3A_397 = vector.broadcast %slice3A_396 : vector<1x128xf32> to vector<3072x128xf32>
    %add3A_398 = arith.addf %sub3A_395, %add3A_397 : vector<3072x128xf32>
    %lt3A_399 = arith.cmpf olt, %add3A_398, %min3A_387 : vector<3072x128xf32>
    %min3A_400 = arith.minimumf %add3A_398, %min3A_387 : vector<3072x128xf32>
    %jit3A_401 = arith.constant 30 : i32
    %broadcast_in_dim3A_402 = vector.broadcast %jit3A_401 : i32 to vector<3072x128xi32>
    %select_n3A_403 = arith.select %lt3A_399, %broadcast_in_dim3A_402, %select_n3A_390 : vector<3072x128xi1>, vector<3072x128xi32>
    %slice3A_404 = vector.extract_strided_slice %get3A_9 {offsets = [3968, 0], sizes = [128, 256], strides = [1, 1]} : vector<8192x256xf32> to vector<128x256xf32>
    %dot_general3A_405 = arith.constant dense<0.000000e+00> : vector<3072x128xf32>
    %dot_general3A_406 = tpu.matmul %mul3A_3, %slice3A_404, %dot_general3A_405 {dimension_numbers = #tpu.dot_dimension_numbers<[1], [1], [0], [0], [0, 0, 1, 0], [], []>, transpose_lhs_hint = false} : vector<3072x256xf32>, vector<128x256xf32>, vector<3072x128xf32> -> vector<3072x128xf32>
    %sub3A_407 = vector.broadcast %get3A_6 : vector<3072x1xf32> to vector<3072x128xf32>
    %sub3A_408 = arith.subf %sub3A_407, %dot_general3A_406 : vector<3072x128xf32>
    %slice3A_409 = vector.extract_strided_slice %get3A_12 {offsets = [0, 3968], sizes = [1, 128], strides = [1, 1]} : vector<1x8192xf32> to vector<1x128xf32>
    %add3A_410 = vector.broadcast %slice3A_409 : vector<1x128xf32> to vector<3072x128xf32>
    %add3A_411 = arith.addf %sub3A_408, %add3A_410 : vector<3072x128xf32>
    %lt3A_412 = arith.cmpf olt, %add3A_411, %min3A_400 : vector<3072x128xf32>
    %min3A_413 = arith.minimumf %add3A_411, %min3A_400 : vector<3072x128xf32>
    %jit3A_414 = arith.constant 31 : i32
    %broadcast_in_dim3A_415 = vector.broadcast %jit3A_414 : i32 to vector<3072x128xi32>
    %select_n3A_416 = arith.select %lt3A_412, %broadcast_in_dim3A_415, %select_n3A_403 : vector<3072x128xi1>, vector<3072x128xi32>
    %slice3A_417 = vector.extract_strided_slice %get3A_9 {offsets = [4096, 0], sizes = [128, 256], strides = [1, 1]} : vector<8192x256xf32> to vector<128x256xf32>
    %dot_general3A_418 = arith.constant dense<0.000000e+00> : vector<3072x128xf32>
    %dot_general3A_419 = tpu.matmul %mul3A_3, %slice3A_417, %dot_general3A_418 {dimension_numbers = #tpu.dot_dimension_numbers<[1], [1], [0], [0], [0, 0, 1, 0], [], []>, transpose_lhs_hint = false} : vector<3072x256xf32>, vector<128x256xf32>, vector<3072x128xf32> -> vector<3072x128xf32>
    %sub3A_420 = vector.broadcast %get3A_6 : vector<3072x1xf32> to vector<3072x128xf32>
    %sub3A_421 = arith.subf %sub3A_420, %dot_general3A_419 : vector<3072x128xf32>
    %slice3A_422 = vector.extract_strided_slice %get3A_12 {offsets = [0, 4096], sizes = [1, 128], strides = [1, 1]} : vector<1x8192xf32> to vector<1x128xf32>
    %add3A_423 = vector.broadcast %slice3A_422 : vector<1x128xf32> to vector<3072x128xf32>
    %add3A_424 = arith.addf %sub3A_421, %add3A_423 : vector<3072x128xf32>
    %lt3A_425 = arith.cmpf olt, %add3A_424, %min3A_413 : vector<3072x128xf32>
    %min3A_426 = arith.minimumf %add3A_424, %min3A_413 : vector<3072x128xf32>
    %jit3A_427 = arith.constant 32 : i32
    %broadcast_in_dim3A_428 = vector.broadcast %jit3A_427 : i32 to vector<3072x128xi32>
    %select_n3A_429 = arith.select %lt3A_425, %broadcast_in_dim3A_428, %select_n3A_416 : vector<3072x128xi1>, vector<3072x128xi32>
    %slice3A_430 = vector.extract_strided_slice %get3A_9 {offsets = [4224, 0], sizes = [128, 256], strides = [1, 1]} : vector<8192x256xf32> to vector<128x256xf32>
    %dot_general3A_431 = arith.constant dense<0.000000e+00> : vector<3072x128xf32>
    %dot_general3A_432 = tpu.matmul %mul3A_3, %slice3A_430, %dot_general3A_431 {dimension_numbers = #tpu.dot_dimension_numbers<[1], [1], [0], [0], [0, 0, 1, 0], [], []>, transpose_lhs_hint = false} : vector<3072x256xf32>, vector<128x256xf32>, vector<3072x128xf32> -> vector<3072x128xf32>
    %sub3A_433 = vector.broadcast %get3A_6 : vector<3072x1xf32> to vector<3072x128xf32>
    %sub3A_434 = arith.subf %sub3A_433, %dot_general3A_432 : vector<3072x128xf32>
    %slice3A_435 = vector.extract_strided_slice %get3A_12 {offsets = [0, 4224], sizes = [1, 128], strides = [1, 1]} : vector<1x8192xf32> to vector<1x128xf32>
    %add3A_436 = vector.broadcast %slice3A_435 : vector<1x128xf32> to vector<3072x128xf32>
    %add3A_437 = arith.addf %sub3A_434, %add3A_436 : vector<3072x128xf32>
    %lt3A_438 = arith.cmpf olt, %add3A_437, %min3A_426 : vector<3072x128xf32>
    %min3A_439 = arith.minimumf %add3A_437, %min3A_426 : vector<3072x128xf32>
    %jit3A_440 = arith.constant 33 : i32
    %broadcast_in_dim3A_441 = vector.broadcast %jit3A_440 : i32 to vector<3072x128xi32>
    %select_n3A_442 = arith.select %lt3A_438, %broadcast_in_dim3A_441, %select_n3A_429 : vector<3072x128xi1>, vector<3072x128xi32>
    %slice3A_443 = vector.extract_strided_slice %get3A_9 {offsets = [4352, 0], sizes = [128, 256], strides = [1, 1]} : vector<8192x256xf32> to vector<128x256xf32>
    %dot_general3A_444 = arith.constant dense<0.000000e+00> : vector<3072x128xf32>
    %dot_general3A_445 = tpu.matmul %mul3A_3, %slice3A_443, %dot_general3A_444 {dimension_numbers = #tpu.dot_dimension_numbers<[1], [1], [0], [0], [0, 0, 1, 0], [], []>, transpose_lhs_hint = false} : vector<3072x256xf32>, vector<128x256xf32>, vector<3072x128xf32> -> vector<3072x128xf32>
    %sub3A_446 = vector.broadcast %get3A_6 : vector<3072x1xf32> to vector<3072x128xf32>
    %sub3A_447 = arith.subf %sub3A_446, %dot_general3A_445 : vector<3072x128xf32>
    %slice3A_448 = vector.extract_strided_slice %get3A_12 {offsets = [0, 4352], sizes = [1, 128], strides = [1, 1]} : vector<1x8192xf32> to vector<1x128xf32>
    %add3A_449 = vector.broadcast %slice3A_448 : vector<1x128xf32> to vector<3072x128xf32>
    %add3A_450 = arith.addf %sub3A_447, %add3A_449 : vector<3072x128xf32>
    %lt3A_451 = arith.cmpf olt, %add3A_450, %min3A_439 : vector<3072x128xf32>
    %min3A_452 = arith.minimumf %add3A_450, %min3A_439 : vector<3072x128xf32>
    %jit3A_453 = arith.constant 34 : i32
    %broadcast_in_dim3A_454 = vector.broadcast %jit3A_453 : i32 to vector<3072x128xi32>
    %select_n3A_455 = arith.select %lt3A_451, %broadcast_in_dim3A_454, %select_n3A_442 : vector<3072x128xi1>, vector<3072x128xi32>
    %slice3A_456 = vector.extract_strided_slice %get3A_9 {offsets = [4480, 0], sizes = [128, 256], strides = [1, 1]} : vector<8192x256xf32> to vector<128x256xf32>
    %dot_general3A_457 = arith.constant dense<0.000000e+00> : vector<3072x128xf32>
    %dot_general3A_458 = tpu.matmul %mul3A_3, %slice3A_456, %dot_general3A_457 {dimension_numbers = #tpu.dot_dimension_numbers<[1], [1], [0], [0], [0, 0, 1, 0], [], []>, transpose_lhs_hint = false} : vector<3072x256xf32>, vector<128x256xf32>, vector<3072x128xf32> -> vector<3072x128xf32>
    %sub3A_459 = vector.broadcast %get3A_6 : vector<3072x1xf32> to vector<3072x128xf32>
    %sub3A_460 = arith.subf %sub3A_459, %dot_general3A_458 : vector<3072x128xf32>
    %slice3A_461 = vector.extract_strided_slice %get3A_12 {offsets = [0, 4480], sizes = [1, 128], strides = [1, 1]} : vector<1x8192xf32> to vector<1x128xf32>
    %add3A_462 = vector.broadcast %slice3A_461 : vector<1x128xf32> to vector<3072x128xf32>
    %add3A_463 = arith.addf %sub3A_460, %add3A_462 : vector<3072x128xf32>
    %lt3A_464 = arith.cmpf olt, %add3A_463, %min3A_452 : vector<3072x128xf32>
    %min3A_465 = arith.minimumf %add3A_463, %min3A_452 : vector<3072x128xf32>
    %jit3A_466 = arith.constant 35 : i32
    %broadcast_in_dim3A_467 = vector.broadcast %jit3A_466 : i32 to vector<3072x128xi32>
    %select_n3A_468 = arith.select %lt3A_464, %broadcast_in_dim3A_467, %select_n3A_455 : vector<3072x128xi1>, vector<3072x128xi32>
    %slice3A_469 = vector.extract_strided_slice %get3A_9 {offsets = [4608, 0], sizes = [128, 256], strides = [1, 1]} : vector<8192x256xf32> to vector<128x256xf32>
    %dot_general3A_470 = arith.constant dense<0.000000e+00> : vector<3072x128xf32>
    %dot_general3A_471 = tpu.matmul %mul3A_3, %slice3A_469, %dot_general3A_470 {dimension_numbers = #tpu.dot_dimension_numbers<[1], [1], [0], [0], [0, 0, 1, 0], [], []>, transpose_lhs_hint = false} : vector<3072x256xf32>, vector<128x256xf32>, vector<3072x128xf32> -> vector<3072x128xf32>
    %sub3A_472 = vector.broadcast %get3A_6 : vector<3072x1xf32> to vector<3072x128xf32>
    %sub3A_473 = arith.subf %sub3A_472, %dot_general3A_471 : vector<3072x128xf32>
    %slice3A_474 = vector.extract_strided_slice %get3A_12 {offsets = [0, 4608], sizes = [1, 128], strides = [1, 1]} : vector<1x8192xf32> to vector<1x128xf32>
    %add3A_475 = vector.broadcast %slice3A_474 : vector<1x128xf32> to vector<3072x128xf32>
    %add3A_476 = arith.addf %sub3A_473, %add3A_475 : vector<3072x128xf32>
    %lt3A_477 = arith.cmpf olt, %add3A_476, %min3A_465 : vector<3072x128xf32>
    %min3A_478 = arith.minimumf %add3A_476, %min3A_465 : vector<3072x128xf32>
    %jit3A_479 = arith.constant 36 : i32
    %broadcast_in_dim3A_480 = vector.broadcast %jit3A_479 : i32 to vector<3072x128xi32>
    %select_n3A_481 = arith.select %lt3A_477, %broadcast_in_dim3A_480, %select_n3A_468 : vector<3072x128xi1>, vector<3072x128xi32>
    %slice3A_482 = vector.extract_strided_slice %get3A_9 {offsets = [4736, 0], sizes = [128, 256], strides = [1, 1]} : vector<8192x256xf32> to vector<128x256xf32>
    %dot_general3A_483 = arith.constant dense<0.000000e+00> : vector<3072x128xf32>
    %dot_general3A_484 = tpu.matmul %mul3A_3, %slice3A_482, %dot_general3A_483 {dimension_numbers = #tpu.dot_dimension_numbers<[1], [1], [0], [0], [0, 0, 1, 0], [], []>, transpose_lhs_hint = false} : vector<3072x256xf32>, vector<128x256xf32>, vector<3072x128xf32> -> vector<3072x128xf32>
    %sub3A_485 = vector.broadcast %get3A_6 : vector<3072x1xf32> to vector<3072x128xf32>
    %sub3A_486 = arith.subf %sub3A_485, %dot_general3A_484 : vector<3072x128xf32>
    %slice3A_487 = vector.extract_strided_slice %get3A_12 {offsets = [0, 4736], sizes = [1, 128], strides = [1, 1]} : vector<1x8192xf32> to vector<1x128xf32>
    %add3A_488 = vector.broadcast %slice3A_487 : vector<1x128xf32> to vector<3072x128xf32>
    %add3A_489 = arith.addf %sub3A_486, %add3A_488 : vector<3072x128xf32>
    %lt3A_490 = arith.cmpf olt, %add3A_489, %min3A_478 : vector<3072x128xf32>
    %min3A_491 = arith.minimumf %add3A_489, %min3A_478 : vector<3072x128xf32>
    %jit3A_492 = arith.constant 37 : i32
    %broadcast_in_dim3A_493 = vector.broadcast %jit3A_492 : i32 to vector<3072x128xi32>
    %select_n3A_494 = arith.select %lt3A_490, %broadcast_in_dim3A_493, %select_n3A_481 : vector<3072x128xi1>, vector<3072x128xi32>
    %slice3A_495 = vector.extract_strided_slice %get3A_9 {offsets = [4864, 0], sizes = [128, 256], strides = [1, 1]} : vector<8192x256xf32> to vector<128x256xf32>
    %dot_general3A_496 = arith.constant dense<0.000000e+00> : vector<3072x128xf32>
    %dot_general3A_497 = tpu.matmul %mul3A_3, %slice3A_495, %dot_general3A_496 {dimension_numbers = #tpu.dot_dimension_numbers<[1], [1], [0], [0], [0, 0, 1, 0], [], []>, transpose_lhs_hint = false} : vector<3072x256xf32>, vector<128x256xf32>, vector<3072x128xf32> -> vector<3072x128xf32>
    %sub3A_498 = vector.broadcast %get3A_6 : vector<3072x1xf32> to vector<3072x128xf32>
    %sub3A_499 = arith.subf %sub3A_498, %dot_general3A_497 : vector<3072x128xf32>
    %slice3A_500 = vector.extract_strided_slice %get3A_12 {offsets = [0, 4864], sizes = [1, 128], strides = [1, 1]} : vector<1x8192xf32> to vector<1x128xf32>
    %add3A_501 = vector.broadcast %slice3A_500 : vector<1x128xf32> to vector<3072x128xf32>
    %add3A_502 = arith.addf %sub3A_499, %add3A_501 : vector<3072x128xf32>
    %lt3A_503 = arith.cmpf olt, %add3A_502, %min3A_491 : vector<3072x128xf32>
    %min3A_504 = arith.minimumf %add3A_502, %min3A_491 : vector<3072x128xf32>
    %jit3A_505 = arith.constant 38 : i32
    %broadcast_in_dim3A_506 = vector.broadcast %jit3A_505 : i32 to vector<3072x128xi32>
    %select_n3A_507 = arith.select %lt3A_503, %broadcast_in_dim3A_506, %select_n3A_494 : vector<3072x128xi1>, vector<3072x128xi32>
    %slice3A_508 = vector.extract_strided_slice %get3A_9 {offsets = [4992, 0], sizes = [128, 256], strides = [1, 1]} : vector<8192x256xf32> to vector<128x256xf32>
    %dot_general3A_509 = arith.constant dense<0.000000e+00> : vector<3072x128xf32>
    %dot_general3A_510 = tpu.matmul %mul3A_3, %slice3A_508, %dot_general3A_509 {dimension_numbers = #tpu.dot_dimension_numbers<[1], [1], [0], [0], [0, 0, 1, 0], [], []>, transpose_lhs_hint = false} : vector<3072x256xf32>, vector<128x256xf32>, vector<3072x128xf32> -> vector<3072x128xf32>
    %sub3A_511 = vector.broadcast %get3A_6 : vector<3072x1xf32> to vector<3072x128xf32>
    %sub3A_512 = arith.subf %sub3A_511, %dot_general3A_510 : vector<3072x128xf32>
    %slice3A_513 = vector.extract_strided_slice %get3A_12 {offsets = [0, 4992], sizes = [1, 128], strides = [1, 1]} : vector<1x8192xf32> to vector<1x128xf32>
    %add3A_514 = vector.broadcast %slice3A_513 : vector<1x128xf32> to vector<3072x128xf32>
    %add3A_515 = arith.addf %sub3A_512, %add3A_514 : vector<3072x128xf32>
    %lt3A_516 = arith.cmpf olt, %add3A_515, %min3A_504 : vector<3072x128xf32>
    %min3A_517 = arith.minimumf %add3A_515, %min3A_504 : vector<3072x128xf32>
    %jit3A_518 = arith.constant 39 : i32
    %broadcast_in_dim3A_519 = vector.broadcast %jit3A_518 : i32 to vector<3072x128xi32>
    %select_n3A_520 = arith.select %lt3A_516, %broadcast_in_dim3A_519, %select_n3A_507 : vector<3072x128xi1>, vector<3072x128xi32>
    %slice3A_521 = vector.extract_strided_slice %get3A_9 {offsets = [5120, 0], sizes = [128, 256], strides = [1, 1]} : vector<8192x256xf32> to vector<128x256xf32>
    %dot_general3A_522 = arith.constant dense<0.000000e+00> : vector<3072x128xf32>
    %dot_general3A_523 = tpu.matmul %mul3A_3, %slice3A_521, %dot_general3A_522 {dimension_numbers = #tpu.dot_dimension_numbers<[1], [1], [0], [0], [0, 0, 1, 0], [], []>, transpose_lhs_hint = false} : vector<3072x256xf32>, vector<128x256xf32>, vector<3072x128xf32> -> vector<3072x128xf32>
    %sub3A_524 = vector.broadcast %get3A_6 : vector<3072x1xf32> to vector<3072x128xf32>
    %sub3A_525 = arith.subf %sub3A_524, %dot_general3A_523 : vector<3072x128xf32>
    %slice3A_526 = vector.extract_strided_slice %get3A_12 {offsets = [0, 5120], sizes = [1, 128], strides = [1, 1]} : vector<1x8192xf32> to vector<1x128xf32>
    %add3A_527 = vector.broadcast %slice3A_526 : vector<1x128xf32> to vector<3072x128xf32>
    %add3A_528 = arith.addf %sub3A_525, %add3A_527 : vector<3072x128xf32>
    %lt3A_529 = arith.cmpf olt, %add3A_528, %min3A_517 : vector<3072x128xf32>
    %min3A_530 = arith.minimumf %add3A_528, %min3A_517 : vector<3072x128xf32>
    %jit3A_531 = arith.constant 40 : i32
    %broadcast_in_dim3A_532 = vector.broadcast %jit3A_531 : i32 to vector<3072x128xi32>
    %select_n3A_533 = arith.select %lt3A_529, %broadcast_in_dim3A_532, %select_n3A_520 : vector<3072x128xi1>, vector<3072x128xi32>
    %slice3A_534 = vector.extract_strided_slice %get3A_9 {offsets = [5248, 0], sizes = [128, 256], strides = [1, 1]} : vector<8192x256xf32> to vector<128x256xf32>
    %dot_general3A_535 = arith.constant dense<0.000000e+00> : vector<3072x128xf32>
    %dot_general3A_536 = tpu.matmul %mul3A_3, %slice3A_534, %dot_general3A_535 {dimension_numbers = #tpu.dot_dimension_numbers<[1], [1], [0], [0], [0, 0, 1, 0], [], []>, transpose_lhs_hint = false} : vector<3072x256xf32>, vector<128x256xf32>, vector<3072x128xf32> -> vector<3072x128xf32>
    %sub3A_537 = vector.broadcast %get3A_6 : vector<3072x1xf32> to vector<3072x128xf32>
    %sub3A_538 = arith.subf %sub3A_537, %dot_general3A_536 : vector<3072x128xf32>
    %slice3A_539 = vector.extract_strided_slice %get3A_12 {offsets = [0, 5248], sizes = [1, 128], strides = [1, 1]} : vector<1x8192xf32> to vector<1x128xf32>
    %add3A_540 = vector.broadcast %slice3A_539 : vector<1x128xf32> to vector<3072x128xf32>
    %add3A_541 = arith.addf %sub3A_538, %add3A_540 : vector<3072x128xf32>
    %lt3A_542 = arith.cmpf olt, %add3A_541, %min3A_530 : vector<3072x128xf32>
    %min3A_543 = arith.minimumf %add3A_541, %min3A_530 : vector<3072x128xf32>
    %jit3A_544 = arith.constant 41 : i32
    %broadcast_in_dim3A_545 = vector.broadcast %jit3A_544 : i32 to vector<3072x128xi32>
    %select_n3A_546 = arith.select %lt3A_542, %broadcast_in_dim3A_545, %select_n3A_533 : vector<3072x128xi1>, vector<3072x128xi32>
    %slice3A_547 = vector.extract_strided_slice %get3A_9 {offsets = [5376, 0], sizes = [128, 256], strides = [1, 1]} : vector<8192x256xf32> to vector<128x256xf32>
    %dot_general3A_548 = arith.constant dense<0.000000e+00> : vector<3072x128xf32>
    %dot_general3A_549 = tpu.matmul %mul3A_3, %slice3A_547, %dot_general3A_548 {dimension_numbers = #tpu.dot_dimension_numbers<[1], [1], [0], [0], [0, 0, 1, 0], [], []>, transpose_lhs_hint = false} : vector<3072x256xf32>, vector<128x256xf32>, vector<3072x128xf32> -> vector<3072x128xf32>
    %sub3A_550 = vector.broadcast %get3A_6 : vector<3072x1xf32> to vector<3072x128xf32>
    %sub3A_551 = arith.subf %sub3A_550, %dot_general3A_549 : vector<3072x128xf32>
    %slice3A_552 = vector.extract_strided_slice %get3A_12 {offsets = [0, 5376], sizes = [1, 128], strides = [1, 1]} : vector<1x8192xf32> to vector<1x128xf32>
    %add3A_553 = vector.broadcast %slice3A_552 : vector<1x128xf32> to vector<3072x128xf32>
    %add3A_554 = arith.addf %sub3A_551, %add3A_553 : vector<3072x128xf32>
    %lt3A_555 = arith.cmpf olt, %add3A_554, %min3A_543 : vector<3072x128xf32>
    %min3A_556 = arith.minimumf %add3A_554, %min3A_543 : vector<3072x128xf32>
    %jit3A_557 = arith.constant 42 : i32
    %broadcast_in_dim3A_558 = vector.broadcast %jit3A_557 : i32 to vector<3072x128xi32>
    %select_n3A_559 = arith.select %lt3A_555, %broadcast_in_dim3A_558, %select_n3A_546 : vector<3072x128xi1>, vector<3072x128xi32>
    %slice3A_560 = vector.extract_strided_slice %get3A_9 {offsets = [5504, 0], sizes = [128, 256], strides = [1, 1]} : vector<8192x256xf32> to vector<128x256xf32>
    %dot_general3A_561 = arith.constant dense<0.000000e+00> : vector<3072x128xf32>
    %dot_general3A_562 = tpu.matmul %mul3A_3, %slice3A_560, %dot_general3A_561 {dimension_numbers = #tpu.dot_dimension_numbers<[1], [1], [0], [0], [0, 0, 1, 0], [], []>, transpose_lhs_hint = false} : vector<3072x256xf32>, vector<128x256xf32>, vector<3072x128xf32> -> vector<3072x128xf32>
    %sub3A_563 = vector.broadcast %get3A_6 : vector<3072x1xf32> to vector<3072x128xf32>
    %sub3A_564 = arith.subf %sub3A_563, %dot_general3A_562 : vector<3072x128xf32>
    %slice3A_565 = vector.extract_strided_slice %get3A_12 {offsets = [0, 5504], sizes = [1, 128], strides = [1, 1]} : vector<1x8192xf32> to vector<1x128xf32>
    %add3A_566 = vector.broadcast %slice3A_565 : vector<1x128xf32> to vector<3072x128xf32>
    %add3A_567 = arith.addf %sub3A_564, %add3A_566 : vector<3072x128xf32>
    %lt3A_568 = arith.cmpf olt, %add3A_567, %min3A_556 : vector<3072x128xf32>
    %min3A_569 = arith.minimumf %add3A_567, %min3A_556 : vector<3072x128xf32>
    %jit3A_570 = arith.constant 43 : i32
    %broadcast_in_dim3A_571 = vector.broadcast %jit3A_570 : i32 to vector<3072x128xi32>
    %select_n3A_572 = arith.select %lt3A_568, %broadcast_in_dim3A_571, %select_n3A_559 : vector<3072x128xi1>, vector<3072x128xi32>
    %slice3A_573 = vector.extract_strided_slice %get3A_9 {offsets = [5632, 0], sizes = [128, 256], strides = [1, 1]} : vector<8192x256xf32> to vector<128x256xf32>
    %dot_general3A_574 = arith.constant dense<0.000000e+00> : vector<3072x128xf32>
    %dot_general3A_575 = tpu.matmul %mul3A_3, %slice3A_573, %dot_general3A_574 {dimension_numbers = #tpu.dot_dimension_numbers<[1], [1], [0], [0], [0, 0, 1, 0], [], []>, transpose_lhs_hint = false} : vector<3072x256xf32>, vector<128x256xf32>, vector<3072x128xf32> -> vector<3072x128xf32>
    %sub3A_576 = vector.broadcast %get3A_6 : vector<3072x1xf32> to vector<3072x128xf32>
    %sub3A_577 = arith.subf %sub3A_576, %dot_general3A_575 : vector<3072x128xf32>
    %slice3A_578 = vector.extract_strided_slice %get3A_12 {offsets = [0, 5632], sizes = [1, 128], strides = [1, 1]} : vector<1x8192xf32> to vector<1x128xf32>
    %add3A_579 = vector.broadcast %slice3A_578 : vector<1x128xf32> to vector<3072x128xf32>
    %add3A_580 = arith.addf %sub3A_577, %add3A_579 : vector<3072x128xf32>
    %lt3A_581 = arith.cmpf olt, %add3A_580, %min3A_569 : vector<3072x128xf32>
    %min3A_582 = arith.minimumf %add3A_580, %min3A_569 : vector<3072x128xf32>
    %jit3A_583 = arith.constant 44 : i32
    %broadcast_in_dim3A_584 = vector.broadcast %jit3A_583 : i32 to vector<3072x128xi32>
    %select_n3A_585 = arith.select %lt3A_581, %broadcast_in_dim3A_584, %select_n3A_572 : vector<3072x128xi1>, vector<3072x128xi32>
    %slice3A_586 = vector.extract_strided_slice %get3A_9 {offsets = [5760, 0], sizes = [128, 256], strides = [1, 1]} : vector<8192x256xf32> to vector<128x256xf32>
    %dot_general3A_587 = arith.constant dense<0.000000e+00> : vector<3072x128xf32>
    %dot_general3A_588 = tpu.matmul %mul3A_3, %slice3A_586, %dot_general3A_587 {dimension_numbers = #tpu.dot_dimension_numbers<[1], [1], [0], [0], [0, 0, 1, 0], [], []>, transpose_lhs_hint = false} : vector<3072x256xf32>, vector<128x256xf32>, vector<3072x128xf32> -> vector<3072x128xf32>
    %sub3A_589 = vector.broadcast %get3A_6 : vector<3072x1xf32> to vector<3072x128xf32>
    %sub3A_590 = arith.subf %sub3A_589, %dot_general3A_588 : vector<3072x128xf32>
    %slice3A_591 = vector.extract_strided_slice %get3A_12 {offsets = [0, 5760], sizes = [1, 128], strides = [1, 1]} : vector<1x8192xf32> to vector<1x128xf32>
    %add3A_592 = vector.broadcast %slice3A_591 : vector<1x128xf32> to vector<3072x128xf32>
    %add3A_593 = arith.addf %sub3A_590, %add3A_592 : vector<3072x128xf32>
    %lt3A_594 = arith.cmpf olt, %add3A_593, %min3A_582 : vector<3072x128xf32>
    %min3A_595 = arith.minimumf %add3A_593, %min3A_582 : vector<3072x128xf32>
    %jit3A_596 = arith.constant 45 : i32
    %broadcast_in_dim3A_597 = vector.broadcast %jit3A_596 : i32 to vector<3072x128xi32>
    %select_n3A_598 = arith.select %lt3A_594, %broadcast_in_dim3A_597, %select_n3A_585 : vector<3072x128xi1>, vector<3072x128xi32>
    %slice3A_599 = vector.extract_strided_slice %get3A_9 {offsets = [5888, 0], sizes = [128, 256], strides = [1, 1]} : vector<8192x256xf32> to vector<128x256xf32>
    %dot_general3A_600 = arith.constant dense<0.000000e+00> : vector<3072x128xf32>
    %dot_general3A_601 = tpu.matmul %mul3A_3, %slice3A_599, %dot_general3A_600 {dimension_numbers = #tpu.dot_dimension_numbers<[1], [1], [0], [0], [0, 0, 1, 0], [], []>, transpose_lhs_hint = false} : vector<3072x256xf32>, vector<128x256xf32>, vector<3072x128xf32> -> vector<3072x128xf32>
    %sub3A_602 = vector.broadcast %get3A_6 : vector<3072x1xf32> to vector<3072x128xf32>
    %sub3A_603 = arith.subf %sub3A_602, %dot_general3A_601 : vector<3072x128xf32>
    %slice3A_604 = vector.extract_strided_slice %get3A_12 {offsets = [0, 5888], sizes = [1, 128], strides = [1, 1]} : vector<1x8192xf32> to vector<1x128xf32>
    %add3A_605 = vector.broadcast %slice3A_604 : vector<1x128xf32> to vector<3072x128xf32>
    %add3A_606 = arith.addf %sub3A_603, %add3A_605 : vector<3072x128xf32>
    %lt3A_607 = arith.cmpf olt, %add3A_606, %min3A_595 : vector<3072x128xf32>
    %min3A_608 = arith.minimumf %add3A_606, %min3A_595 : vector<3072x128xf32>
    %jit3A_609 = arith.constant 46 : i32
    %broadcast_in_dim3A_610 = vector.broadcast %jit3A_609 : i32 to vector<3072x128xi32>
    %select_n3A_611 = arith.select %lt3A_607, %broadcast_in_dim3A_610, %select_n3A_598 : vector<3072x128xi1>, vector<3072x128xi32>
    %slice3A_612 = vector.extract_strided_slice %get3A_9 {offsets = [6016, 0], sizes = [128, 256], strides = [1, 1]} : vector<8192x256xf32> to vector<128x256xf32>
    %dot_general3A_613 = arith.constant dense<0.000000e+00> : vector<3072x128xf32>
    %dot_general3A_614 = tpu.matmul %mul3A_3, %slice3A_612, %dot_general3A_613 {dimension_numbers = #tpu.dot_dimension_numbers<[1], [1], [0], [0], [0, 0, 1, 0], [], []>, transpose_lhs_hint = false} : vector<3072x256xf32>, vector<128x256xf32>, vector<3072x128xf32> -> vector<3072x128xf32>
    %sub3A_615 = vector.broadcast %get3A_6 : vector<3072x1xf32> to vector<3072x128xf32>
    %sub3A_616 = arith.subf %sub3A_615, %dot_general3A_614 : vector<3072x128xf32>
    %slice3A_617 = vector.extract_strided_slice %get3A_12 {offsets = [0, 6016], sizes = [1, 128], strides = [1, 1]} : vector<1x8192xf32> to vector<1x128xf32>
    %add3A_618 = vector.broadcast %slice3A_617 : vector<1x128xf32> to vector<3072x128xf32>
    %add3A_619 = arith.addf %sub3A_616, %add3A_618 : vector<3072x128xf32>
    %lt3A_620 = arith.cmpf olt, %add3A_619, %min3A_608 : vector<3072x128xf32>
    %min3A_621 = arith.minimumf %add3A_619, %min3A_608 : vector<3072x128xf32>
    %jit3A_622 = arith.constant 47 : i32
    %broadcast_in_dim3A_623 = vector.broadcast %jit3A_622 : i32 to vector<3072x128xi32>
    %select_n3A_624 = arith.select %lt3A_620, %broadcast_in_dim3A_623, %select_n3A_611 : vector<3072x128xi1>, vector<3072x128xi32>
    %slice3A_625 = vector.extract_strided_slice %get3A_9 {offsets = [6144, 0], sizes = [128, 256], strides = [1, 1]} : vector<8192x256xf32> to vector<128x256xf32>
    %dot_general3A_626 = arith.constant dense<0.000000e+00> : vector<3072x128xf32>
    %dot_general3A_627 = tpu.matmul %mul3A_3, %slice3A_625, %dot_general3A_626 {dimension_numbers = #tpu.dot_dimension_numbers<[1], [1], [0], [0], [0, 0, 1, 0], [], []>, transpose_lhs_hint = false} : vector<3072x256xf32>, vector<128x256xf32>, vector<3072x128xf32> -> vector<3072x128xf32>
    %sub3A_628 = vector.broadcast %get3A_6 : vector<3072x1xf32> to vector<3072x128xf32>
    %sub3A_629 = arith.subf %sub3A_628, %dot_general3A_627 : vector<3072x128xf32>
    %slice3A_630 = vector.extract_strided_slice %get3A_12 {offsets = [0, 6144], sizes = [1, 128], strides = [1, 1]} : vector<1x8192xf32> to vector<1x128xf32>
    %add3A_631 = vector.broadcast %slice3A_630 : vector<1x128xf32> to vector<3072x128xf32>
    %add3A_632 = arith.addf %sub3A_629, %add3A_631 : vector<3072x128xf32>
    %lt3A_633 = arith.cmpf olt, %add3A_632, %min3A_621 : vector<3072x128xf32>
    %min3A_634 = arith.minimumf %add3A_632, %min3A_621 : vector<3072x128xf32>
    %jit3A_635 = arith.constant 48 : i32
    %broadcast_in_dim3A_636 = vector.broadcast %jit3A_635 : i32 to vector<3072x128xi32>
    %select_n3A_637 = arith.select %lt3A_633, %broadcast_in_dim3A_636, %select_n3A_624 : vector<3072x128xi1>, vector<3072x128xi32>
    %slice3A_638 = vector.extract_strided_slice %get3A_9 {offsets = [6272, 0], sizes = [128, 256], strides = [1, 1]} : vector<8192x256xf32> to vector<128x256xf32>
    %dot_general3A_639 = arith.constant dense<0.000000e+00> : vector<3072x128xf32>
    %dot_general3A_640 = tpu.matmul %mul3A_3, %slice3A_638, %dot_general3A_639 {dimension_numbers = #tpu.dot_dimension_numbers<[1], [1], [0], [0], [0, 0, 1, 0], [], []>, transpose_lhs_hint = false} : vector<3072x256xf32>, vector<128x256xf32>, vector<3072x128xf32> -> vector<3072x128xf32>
    %sub3A_641 = vector.broadcast %get3A_6 : vector<3072x1xf32> to vector<3072x128xf32>
    %sub3A_642 = arith.subf %sub3A_641, %dot_general3A_640 : vector<3072x128xf32>
    %slice3A_643 = vector.extract_strided_slice %get3A_12 {offsets = [0, 6272], sizes = [1, 128], strides = [1, 1]} : vector<1x8192xf32> to vector<1x128xf32>
    %add3A_644 = vector.broadcast %slice3A_643 : vector<1x128xf32> to vector<3072x128xf32>
    %add3A_645 = arith.addf %sub3A_642, %add3A_644 : vector<3072x128xf32>
    %lt3A_646 = arith.cmpf olt, %add3A_645, %min3A_634 : vector<3072x128xf32>
    %min3A_647 = arith.minimumf %add3A_645, %min3A_634 : vector<3072x128xf32>
    %jit3A_648 = arith.constant 49 : i32
    %broadcast_in_dim3A_649 = vector.broadcast %jit3A_648 : i32 to vector<3072x128xi32>
    %select_n3A_650 = arith.select %lt3A_646, %broadcast_in_dim3A_649, %select_n3A_637 : vector<3072x128xi1>, vector<3072x128xi32>
    %slice3A_651 = vector.extract_strided_slice %get3A_9 {offsets = [6400, 0], sizes = [128, 256], strides = [1, 1]} : vector<8192x256xf32> to vector<128x256xf32>
    %dot_general3A_652 = arith.constant dense<0.000000e+00> : vector<3072x128xf32>
    %dot_general3A_653 = tpu.matmul %mul3A_3, %slice3A_651, %dot_general3A_652 {dimension_numbers = #tpu.dot_dimension_numbers<[1], [1], [0], [0], [0, 0, 1, 0], [], []>, transpose_lhs_hint = false} : vector<3072x256xf32>, vector<128x256xf32>, vector<3072x128xf32> -> vector<3072x128xf32>
    %sub3A_654 = vector.broadcast %get3A_6 : vector<3072x1xf32> to vector<3072x128xf32>
    %sub3A_655 = arith.subf %sub3A_654, %dot_general3A_653 : vector<3072x128xf32>
    %slice3A_656 = vector.extract_strided_slice %get3A_12 {offsets = [0, 6400], sizes = [1, 128], strides = [1, 1]} : vector<1x8192xf32> to vector<1x128xf32>
    %add3A_657 = vector.broadcast %slice3A_656 : vector<1x128xf32> to vector<3072x128xf32>
    %add3A_658 = arith.addf %sub3A_655, %add3A_657 : vector<3072x128xf32>
    %lt3A_659 = arith.cmpf olt, %add3A_658, %min3A_647 : vector<3072x128xf32>
    %min3A_660 = arith.minimumf %add3A_658, %min3A_647 : vector<3072x128xf32>
    %jit3A_661 = arith.constant 50 : i32
    %broadcast_in_dim3A_662 = vector.broadcast %jit3A_661 : i32 to vector<3072x128xi32>
    %select_n3A_663 = arith.select %lt3A_659, %broadcast_in_dim3A_662, %select_n3A_650 : vector<3072x128xi1>, vector<3072x128xi32>
    %slice3A_664 = vector.extract_strided_slice %get3A_9 {offsets = [6528, 0], sizes = [128, 256], strides = [1, 1]} : vector<8192x256xf32> to vector<128x256xf32>
    %dot_general3A_665 = arith.constant dense<0.000000e+00> : vector<3072x128xf32>
    %dot_general3A_666 = tpu.matmul %mul3A_3, %slice3A_664, %dot_general3A_665 {dimension_numbers = #tpu.dot_dimension_numbers<[1], [1], [0], [0], [0, 0, 1, 0], [], []>, transpose_lhs_hint = false} : vector<3072x256xf32>, vector<128x256xf32>, vector<3072x128xf32> -> vector<3072x128xf32>
    %sub3A_667 = vector.broadcast %get3A_6 : vector<3072x1xf32> to vector<3072x128xf32>
    %sub3A_668 = arith.subf %sub3A_667, %dot_general3A_666 : vector<3072x128xf32>
    %slice3A_669 = vector.extract_strided_slice %get3A_12 {offsets = [0, 6528], sizes = [1, 128], strides = [1, 1]} : vector<1x8192xf32> to vector<1x128xf32>
    %add3A_670 = vector.broadcast %slice3A_669 : vector<1x128xf32> to vector<3072x128xf32>
    %add3A_671 = arith.addf %sub3A_668, %add3A_670 : vector<3072x128xf32>
    %lt3A_672 = arith.cmpf olt, %add3A_671, %min3A_660 : vector<3072x128xf32>
    %min3A_673 = arith.minimumf %add3A_671, %min3A_660 : vector<3072x128xf32>
    %jit3A_674 = arith.constant 51 : i32
    %broadcast_in_dim3A_675 = vector.broadcast %jit3A_674 : i32 to vector<3072x128xi32>
    %select_n3A_676 = arith.select %lt3A_672, %broadcast_in_dim3A_675, %select_n3A_663 : vector<3072x128xi1>, vector<3072x128xi32>
    %slice3A_677 = vector.extract_strided_slice %get3A_9 {offsets = [6656, 0], sizes = [128, 256], strides = [1, 1]} : vector<8192x256xf32> to vector<128x256xf32>
    %dot_general3A_678 = arith.constant dense<0.000000e+00> : vector<3072x128xf32>
    %dot_general3A_679 = tpu.matmul %mul3A_3, %slice3A_677, %dot_general3A_678 {dimension_numbers = #tpu.dot_dimension_numbers<[1], [1], [0], [0], [0, 0, 1, 0], [], []>, transpose_lhs_hint = false} : vector<3072x256xf32>, vector<128x256xf32>, vector<3072x128xf32> -> vector<3072x128xf32>
    %sub3A_680 = vector.broadcast %get3A_6 : vector<3072x1xf32> to vector<3072x128xf32>
    %sub3A_681 = arith.subf %sub3A_680, %dot_general3A_679 : vector<3072x128xf32>
    %slice3A_682 = vector.extract_strided_slice %get3A_12 {offsets = [0, 6656], sizes = [1, 128], strides = [1, 1]} : vector<1x8192xf32> to vector<1x128xf32>
    %add3A_683 = vector.broadcast %slice3A_682 : vector<1x128xf32> to vector<3072x128xf32>
    %add3A_684 = arith.addf %sub3A_681, %add3A_683 : vector<3072x128xf32>
    %lt3A_685 = arith.cmpf olt, %add3A_684, %min3A_673 : vector<3072x128xf32>
    %min3A_686 = arith.minimumf %add3A_684, %min3A_673 : vector<3072x128xf32>
    %jit3A_687 = arith.constant 52 : i32
    %broadcast_in_dim3A_688 = vector.broadcast %jit3A_687 : i32 to vector<3072x128xi32>
    %select_n3A_689 = arith.select %lt3A_685, %broadcast_in_dim3A_688, %select_n3A_676 : vector<3072x128xi1>, vector<3072x128xi32>
    %slice3A_690 = vector.extract_strided_slice %get3A_9 {offsets = [6784, 0], sizes = [128, 256], strides = [1, 1]} : vector<8192x256xf32> to vector<128x256xf32>
    %dot_general3A_691 = arith.constant dense<0.000000e+00> : vector<3072x128xf32>
    %dot_general3A_692 = tpu.matmul %mul3A_3, %slice3A_690, %dot_general3A_691 {dimension_numbers = #tpu.dot_dimension_numbers<[1], [1], [0], [0], [0, 0, 1, 0], [], []>, transpose_lhs_hint = false} : vector<3072x256xf32>, vector<128x256xf32>, vector<3072x128xf32> -> vector<3072x128xf32>
    %sub3A_693 = vector.broadcast %get3A_6 : vector<3072x1xf32> to vector<3072x128xf32>
    %sub3A_694 = arith.subf %sub3A_693, %dot_general3A_692 : vector<3072x128xf32>
    %slice3A_695 = vector.extract_strided_slice %get3A_12 {offsets = [0, 6784], sizes = [1, 128], strides = [1, 1]} : vector<1x8192xf32> to vector<1x128xf32>
    %add3A_696 = vector.broadcast %slice3A_695 : vector<1x128xf32> to vector<3072x128xf32>
    %add3A_697 = arith.addf %sub3A_694, %add3A_696 : vector<3072x128xf32>
    %lt3A_698 = arith.cmpf olt, %add3A_697, %min3A_686 : vector<3072x128xf32>
    %min3A_699 = arith.minimumf %add3A_697, %min3A_686 : vector<3072x128xf32>
    %jit3A_700 = arith.constant 53 : i32
    %broadcast_in_dim3A_701 = vector.broadcast %jit3A_700 : i32 to vector<3072x128xi32>
    %select_n3A_702 = arith.select %lt3A_698, %broadcast_in_dim3A_701, %select_n3A_689 : vector<3072x128xi1>, vector<3072x128xi32>
    %slice3A_703 = vector.extract_strided_slice %get3A_9 {offsets = [6912, 0], sizes = [128, 256], strides = [1, 1]} : vector<8192x256xf32> to vector<128x256xf32>
    %dot_general3A_704 = arith.constant dense<0.000000e+00> : vector<3072x128xf32>
    %dot_general3A_705 = tpu.matmul %mul3A_3, %slice3A_703, %dot_general3A_704 {dimension_numbers = #tpu.dot_dimension_numbers<[1], [1], [0], [0], [0, 0, 1, 0], [], []>, transpose_lhs_hint = false} : vector<3072x256xf32>, vector<128x256xf32>, vector<3072x128xf32> -> vector<3072x128xf32>
    %sub3A_706 = vector.broadcast %get3A_6 : vector<3072x1xf32> to vector<3072x128xf32>
    %sub3A_707 = arith.subf %sub3A_706, %dot_general3A_705 : vector<3072x128xf32>
    %slice3A_708 = vector.extract_strided_slice %get3A_12 {offsets = [0, 6912], sizes = [1, 128], strides = [1, 1]} : vector<1x8192xf32> to vector<1x128xf32>
    %add3A_709 = vector.broadcast %slice3A_708 : vector<1x128xf32> to vector<3072x128xf32>
    %add3A_710 = arith.addf %sub3A_707, %add3A_709 : vector<3072x128xf32>
    %lt3A_711 = arith.cmpf olt, %add3A_710, %min3A_699 : vector<3072x128xf32>
    %min3A_712 = arith.minimumf %add3A_710, %min3A_699 : vector<3072x128xf32>
    %jit3A_713 = arith.constant 54 : i32
    %broadcast_in_dim3A_714 = vector.broadcast %jit3A_713 : i32 to vector<3072x128xi32>
    %select_n3A_715 = arith.select %lt3A_711, %broadcast_in_dim3A_714, %select_n3A_702 : vector<3072x128xi1>, vector<3072x128xi32>
    %slice3A_716 = vector.extract_strided_slice %get3A_9 {offsets = [7040, 0], sizes = [128, 256], strides = [1, 1]} : vector<8192x256xf32> to vector<128x256xf32>
    %dot_general3A_717 = arith.constant dense<0.000000e+00> : vector<3072x128xf32>
    %dot_general3A_718 = tpu.matmul %mul3A_3, %slice3A_716, %dot_general3A_717 {dimension_numbers = #tpu.dot_dimension_numbers<[1], [1], [0], [0], [0, 0, 1, 0], [], []>, transpose_lhs_hint = false} : vector<3072x256xf32>, vector<128x256xf32>, vector<3072x128xf32> -> vector<3072x128xf32>
    %sub3A_719 = vector.broadcast %get3A_6 : vector<3072x1xf32> to vector<3072x128xf32>
    %sub3A_720 = arith.subf %sub3A_719, %dot_general3A_718 : vector<3072x128xf32>
    %slice3A_721 = vector.extract_strided_slice %get3A_12 {offsets = [0, 7040], sizes = [1, 128], strides = [1, 1]} : vector<1x8192xf32> to vector<1x128xf32>
    %add3A_722 = vector.broadcast %slice3A_721 : vector<1x128xf32> to vector<3072x128xf32>
    %add3A_723 = arith.addf %sub3A_720, %add3A_722 : vector<3072x128xf32>
    %lt3A_724 = arith.cmpf olt, %add3A_723, %min3A_712 : vector<3072x128xf32>
    %min3A_725 = arith.minimumf %add3A_723, %min3A_712 : vector<3072x128xf32>
    %jit3A_726 = arith.constant 55 : i32
    %broadcast_in_dim3A_727 = vector.broadcast %jit3A_726 : i32 to vector<3072x128xi32>
    %select_n3A_728 = arith.select %lt3A_724, %broadcast_in_dim3A_727, %select_n3A_715 : vector<3072x128xi1>, vector<3072x128xi32>
    %slice3A_729 = vector.extract_strided_slice %get3A_9 {offsets = [7168, 0], sizes = [128, 256], strides = [1, 1]} : vector<8192x256xf32> to vector<128x256xf32>
    %dot_general3A_730 = arith.constant dense<0.000000e+00> : vector<3072x128xf32>
    %dot_general3A_731 = tpu.matmul %mul3A_3, %slice3A_729, %dot_general3A_730 {dimension_numbers = #tpu.dot_dimension_numbers<[1], [1], [0], [0], [0, 0, 1, 0], [], []>, transpose_lhs_hint = false} : vector<3072x256xf32>, vector<128x256xf32>, vector<3072x128xf32> -> vector<3072x128xf32>
    %sub3A_732 = vector.broadcast %get3A_6 : vector<3072x1xf32> to vector<3072x128xf32>
    %sub3A_733 = arith.subf %sub3A_732, %dot_general3A_731 : vector<3072x128xf32>
    %slice3A_734 = vector.extract_strided_slice %get3A_12 {offsets = [0, 7168], sizes = [1, 128], strides = [1, 1]} : vector<1x8192xf32> to vector<1x128xf32>
    %add3A_735 = vector.broadcast %slice3A_734 : vector<1x128xf32> to vector<3072x128xf32>
    %add3A_736 = arith.addf %sub3A_733, %add3A_735 : vector<3072x128xf32>
    %lt3A_737 = arith.cmpf olt, %add3A_736, %min3A_725 : vector<3072x128xf32>
    %min3A_738 = arith.minimumf %add3A_736, %min3A_725 : vector<3072x128xf32>
    %jit3A_739 = arith.constant 56 : i32
    %broadcast_in_dim3A_740 = vector.broadcast %jit3A_739 : i32 to vector<3072x128xi32>
    %select_n3A_741 = arith.select %lt3A_737, %broadcast_in_dim3A_740, %select_n3A_728 : vector<3072x128xi1>, vector<3072x128xi32>
    %slice3A_742 = vector.extract_strided_slice %get3A_9 {offsets = [7296, 0], sizes = [128, 256], strides = [1, 1]} : vector<8192x256xf32> to vector<128x256xf32>
    %dot_general3A_743 = arith.constant dense<0.000000e+00> : vector<3072x128xf32>
    %dot_general3A_744 = tpu.matmul %mul3A_3, %slice3A_742, %dot_general3A_743 {dimension_numbers = #tpu.dot_dimension_numbers<[1], [1], [0], [0], [0, 0, 1, 0], [], []>, transpose_lhs_hint = false} : vector<3072x256xf32>, vector<128x256xf32>, vector<3072x128xf32> -> vector<3072x128xf32>
    %sub3A_745 = vector.broadcast %get3A_6 : vector<3072x1xf32> to vector<3072x128xf32>
    %sub3A_746 = arith.subf %sub3A_745, %dot_general3A_744 : vector<3072x128xf32>
    %slice3A_747 = vector.extract_strided_slice %get3A_12 {offsets = [0, 7296], sizes = [1, 128], strides = [1, 1]} : vector<1x8192xf32> to vector<1x128xf32>
    %add3A_748 = vector.broadcast %slice3A_747 : vector<1x128xf32> to vector<3072x128xf32>
    %add3A_749 = arith.addf %sub3A_746, %add3A_748 : vector<3072x128xf32>
    %lt3A_750 = arith.cmpf olt, %add3A_749, %min3A_738 : vector<3072x128xf32>
    %min3A_751 = arith.minimumf %add3A_749, %min3A_738 : vector<3072x128xf32>
    %jit3A_752 = arith.constant 57 : i32
    %broadcast_in_dim3A_753 = vector.broadcast %jit3A_752 : i32 to vector<3072x128xi32>
    %select_n3A_754 = arith.select %lt3A_750, %broadcast_in_dim3A_753, %select_n3A_741 : vector<3072x128xi1>, vector<3072x128xi32>
    %slice3A_755 = vector.extract_strided_slice %get3A_9 {offsets = [7424, 0], sizes = [128, 256], strides = [1, 1]} : vector<8192x256xf32> to vector<128x256xf32>
    %dot_general3A_756 = arith.constant dense<0.000000e+00> : vector<3072x128xf32>
    %dot_general3A_757 = tpu.matmul %mul3A_3, %slice3A_755, %dot_general3A_756 {dimension_numbers = #tpu.dot_dimension_numbers<[1], [1], [0], [0], [0, 0, 1, 0], [], []>, transpose_lhs_hint = false} : vector<3072x256xf32>, vector<128x256xf32>, vector<3072x128xf32> -> vector<3072x128xf32>
    %sub3A_758 = vector.broadcast %get3A_6 : vector<3072x1xf32> to vector<3072x128xf32>
    %sub3A_759 = arith.subf %sub3A_758, %dot_general3A_757 : vector<3072x128xf32>
    %slice3A_760 = vector.extract_strided_slice %get3A_12 {offsets = [0, 7424], sizes = [1, 128], strides = [1, 1]} : vector<1x8192xf32> to vector<1x128xf32>
    %add3A_761 = vector.broadcast %slice3A_760 : vector<1x128xf32> to vector<3072x128xf32>
    %add3A_762 = arith.addf %sub3A_759, %add3A_761 : vector<3072x128xf32>
    %lt3A_763 = arith.cmpf olt, %add3A_762, %min3A_751 : vector<3072x128xf32>
    %min3A_764 = arith.minimumf %add3A_762, %min3A_751 : vector<3072x128xf32>
    %jit3A_765 = arith.constant 58 : i32
    %broadcast_in_dim3A_766 = vector.broadcast %jit3A_765 : i32 to vector<3072x128xi32>
    %select_n3A_767 = arith.select %lt3A_763, %broadcast_in_dim3A_766, %select_n3A_754 : vector<3072x128xi1>, vector<3072x128xi32>
    %slice3A_768 = vector.extract_strided_slice %get3A_9 {offsets = [7552, 0], sizes = [128, 256], strides = [1, 1]} : vector<8192x256xf32> to vector<128x256xf32>
    %dot_general3A_769 = arith.constant dense<0.000000e+00> : vector<3072x128xf32>
    %dot_general3A_770 = tpu.matmul %mul3A_3, %slice3A_768, %dot_general3A_769 {dimension_numbers = #tpu.dot_dimension_numbers<[1], [1], [0], [0], [0, 0, 1, 0], [], []>, transpose_lhs_hint = false} : vector<3072x256xf32>, vector<128x256xf32>, vector<3072x128xf32> -> vector<3072x128xf32>
    %sub3A_771 = vector.broadcast %get3A_6 : vector<3072x1xf32> to vector<3072x128xf32>
    %sub3A_772 = arith.subf %sub3A_771, %dot_general3A_770 : vector<3072x128xf32>
    %slice3A_773 = vector.extract_strided_slice %get3A_12 {offsets = [0, 7552], sizes = [1, 128], strides = [1, 1]} : vector<1x8192xf32> to vector<1x128xf32>
    %add3A_774 = vector.broadcast %slice3A_773 : vector<1x128xf32> to vector<3072x128xf32>
    %add3A_775 = arith.addf %sub3A_772, %add3A_774 : vector<3072x128xf32>
    %lt3A_776 = arith.cmpf olt, %add3A_775, %min3A_764 : vector<3072x128xf32>
    %min3A_777 = arith.minimumf %add3A_775, %min3A_764 : vector<3072x128xf32>
    %jit3A_778 = arith.constant 59 : i32
    %broadcast_in_dim3A_779 = vector.broadcast %jit3A_778 : i32 to vector<3072x128xi32>
    %select_n3A_780 = arith.select %lt3A_776, %broadcast_in_dim3A_779, %select_n3A_767 : vector<3072x128xi1>, vector<3072x128xi32>
    %slice3A_781 = vector.extract_strided_slice %get3A_9 {offsets = [7680, 0], sizes = [128, 256], strides = [1, 1]} : vector<8192x256xf32> to vector<128x256xf32>
    %dot_general3A_782 = arith.constant dense<0.000000e+00> : vector<3072x128xf32>
    %dot_general3A_783 = tpu.matmul %mul3A_3, %slice3A_781, %dot_general3A_782 {dimension_numbers = #tpu.dot_dimension_numbers<[1], [1], [0], [0], [0, 0, 1, 0], [], []>, transpose_lhs_hint = false} : vector<3072x256xf32>, vector<128x256xf32>, vector<3072x128xf32> -> vector<3072x128xf32>
    %sub3A_784 = vector.broadcast %get3A_6 : vector<3072x1xf32> to vector<3072x128xf32>
    %sub3A_785 = arith.subf %sub3A_784, %dot_general3A_783 : vector<3072x128xf32>
    %slice3A_786 = vector.extract_strided_slice %get3A_12 {offsets = [0, 7680], sizes = [1, 128], strides = [1, 1]} : vector<1x8192xf32> to vector<1x128xf32>
    %add3A_787 = vector.broadcast %slice3A_786 : vector<1x128xf32> to vector<3072x128xf32>
    %add3A_788 = arith.addf %sub3A_785, %add3A_787 : vector<3072x128xf32>
    %lt3A_789 = arith.cmpf olt, %add3A_788, %min3A_777 : vector<3072x128xf32>
    %min3A_790 = arith.minimumf %add3A_788, %min3A_777 : vector<3072x128xf32>
    %jit3A_791 = arith.constant 60 : i32
    %broadcast_in_dim3A_792 = vector.broadcast %jit3A_791 : i32 to vector<3072x128xi32>
    %select_n3A_793 = arith.select %lt3A_789, %broadcast_in_dim3A_792, %select_n3A_780 : vector<3072x128xi1>, vector<3072x128xi32>
    %slice3A_794 = vector.extract_strided_slice %get3A_9 {offsets = [7808, 0], sizes = [128, 256], strides = [1, 1]} : vector<8192x256xf32> to vector<128x256xf32>
    %dot_general3A_795 = arith.constant dense<0.000000e+00> : vector<3072x128xf32>
    %dot_general3A_796 = tpu.matmul %mul3A_3, %slice3A_794, %dot_general3A_795 {dimension_numbers = #tpu.dot_dimension_numbers<[1], [1], [0], [0], [0, 0, 1, 0], [], []>, transpose_lhs_hint = false} : vector<3072x256xf32>, vector<128x256xf32>, vector<3072x128xf32> -> vector<3072x128xf32>
    %sub3A_797 = vector.broadcast %get3A_6 : vector<3072x1xf32> to vector<3072x128xf32>
    %sub3A_798 = arith.subf %sub3A_797, %dot_general3A_796 : vector<3072x128xf32>
    %slice3A_799 = vector.extract_strided_slice %get3A_12 {offsets = [0, 7808], sizes = [1, 128], strides = [1, 1]} : vector<1x8192xf32> to vector<1x128xf32>
    %add3A_800 = vector.broadcast %slice3A_799 : vector<1x128xf32> to vector<3072x128xf32>
    %add3A_801 = arith.addf %sub3A_798, %add3A_800 : vector<3072x128xf32>
    %lt3A_802 = arith.cmpf olt, %add3A_801, %min3A_790 : vector<3072x128xf32>
    %min3A_803 = arith.minimumf %add3A_801, %min3A_790 : vector<3072x128xf32>
    %jit3A_804 = arith.constant 61 : i32
    %broadcast_in_dim3A_805 = vector.broadcast %jit3A_804 : i32 to vector<3072x128xi32>
    %select_n3A_806 = arith.select %lt3A_802, %broadcast_in_dim3A_805, %select_n3A_793 : vector<3072x128xi1>, vector<3072x128xi32>
    %slice3A_807 = vector.extract_strided_slice %get3A_9 {offsets = [7936, 0], sizes = [128, 256], strides = [1, 1]} : vector<8192x256xf32> to vector<128x256xf32>
    %dot_general3A_808 = arith.constant dense<0.000000e+00> : vector<3072x128xf32>
    %dot_general3A_809 = tpu.matmul %mul3A_3, %slice3A_807, %dot_general3A_808 {dimension_numbers = #tpu.dot_dimension_numbers<[1], [1], [0], [0], [0, 0, 1, 0], [], []>, transpose_lhs_hint = false} : vector<3072x256xf32>, vector<128x256xf32>, vector<3072x128xf32> -> vector<3072x128xf32>
    %sub3A_810 = vector.broadcast %get3A_6 : vector<3072x1xf32> to vector<3072x128xf32>
    %sub3A_811 = arith.subf %sub3A_810, %dot_general3A_809 : vector<3072x128xf32>
    %slice3A_812 = vector.extract_strided_slice %get3A_12 {offsets = [0, 7936], sizes = [1, 128], strides = [1, 1]} : vector<1x8192xf32> to vector<1x128xf32>
    %add3A_813 = vector.broadcast %slice3A_812 : vector<1x128xf32> to vector<3072x128xf32>
    %add3A_814 = arith.addf %sub3A_811, %add3A_813 : vector<3072x128xf32>
    %lt3A_815 = arith.cmpf olt, %add3A_814, %min3A_803 : vector<3072x128xf32>
    %min3A_816 = arith.minimumf %add3A_814, %min3A_803 : vector<3072x128xf32>
    %jit3A_817 = arith.constant 62 : i32
    %broadcast_in_dim3A_818 = vector.broadcast %jit3A_817 : i32 to vector<3072x128xi32>
    %select_n3A_819 = arith.select %lt3A_815, %broadcast_in_dim3A_818, %select_n3A_806 : vector<3072x128xi1>, vector<3072x128xi32>
    %slice3A_820 = vector.extract_strided_slice %get3A_9 {offsets = [8064, 0], sizes = [128, 256], strides = [1, 1]} : vector<8192x256xf32> to vector<128x256xf32>
    %dot_general3A_821 = arith.constant dense<0.000000e+00> : vector<3072x128xf32>
    %dot_general3A_822 = tpu.matmul %mul3A_3, %slice3A_820, %dot_general3A_821 {dimension_numbers = #tpu.dot_dimension_numbers<[1], [1], [0], [0], [0, 0, 1, 0], [], []>, transpose_lhs_hint = false} : vector<3072x256xf32>, vector<128x256xf32>, vector<3072x128xf32> -> vector<3072x128xf32>
    %sub3A_823 = vector.broadcast %get3A_6 : vector<3072x1xf32> to vector<3072x128xf32>
    %sub3A_824 = arith.subf %sub3A_823, %dot_general3A_822 : vector<3072x128xf32>
    %slice3A_825 = vector.extract_strided_slice %get3A_12 {offsets = [0, 8064], sizes = [1, 128], strides = [1, 1]} : vector<1x8192xf32> to vector<1x128xf32>
    %add3A_826 = vector.broadcast %slice3A_825 : vector<1x128xf32> to vector<3072x128xf32>
    %add3A_827 = arith.addf %sub3A_824, %add3A_826 : vector<3072x128xf32>
    %lt3A_828 = arith.cmpf olt, %add3A_827, %min3A_816 : vector<3072x128xf32>
    %min3A_829 = arith.minimumf %add3A_827, %min3A_816 : vector<3072x128xf32>
    %jit3A_830 = arith.constant 63 : i32
    %broadcast_in_dim3A_831 = vector.broadcast %jit3A_830 : i32 to vector<3072x128xi32>
    %select_n3A_832 = arith.select %lt3A_828, %broadcast_in_dim3A_831, %select_n3A_819 : vector<3072x128xi1>, vector<3072x128xi32>
    %reduce_min3A = arith.constant dense<0x7F800000> : vector<3072xf32>
    %reduce_min3A_833 = vector.multi_reduction <minimumf>, %min3A_829, %reduce_min3A [1] : vector<3072x128xf32> to vector<3072xf32>
    %broadcast_in_dim3A_834 = vector.shape_cast %reduce_min3A_833 : vector<3072xf32> to vector<3072x1xf32>
    %iota3A = tpu.iota {dimensions = array<i32: 1>} : vector<3072x128xi32>
    %eq3A = vector.broadcast %broadcast_in_dim3A_834 : vector<3072x1xf32> to vector<3072x128xf32>
    %eq3A_835 = arith.cmpf oeq, %min3A_829, %eq3A : vector<3072x128xf32>
    %mul3A_836 = arith.constant 128 : i32
    %mul3A_837 = vector.broadcast %mul3A_836 : i32 to vector<3072x128xi32>
    %mul3A_838 = arith.muli %select_n3A_832, %mul3A_837 : vector<3072x128xi32>
    %add3A_839 = arith.addi %mul3A_838, %iota3A : vector<3072x128xi32>
    %jit3A_840 = arith.constant 8192 : i32
    %broadcast_in_dim3A_841 = vector.broadcast %jit3A_840 : i32 to vector<3072x128xi32>
    %select_n3A_842 = arith.select %eq3A_835, %add3A_839, %broadcast_in_dim3A_841 : vector<3072x128xi1>, vector<3072x128xi32>
    %reduce_min3A_843 = arith.constant dense<2147483647> : vector<3072xi32>
    %reduce_min3A_844 = vector.multi_reduction <minsi>, %select_n3A_842, %reduce_min3A_843 [1] : vector<3072x128xi32> to vector<3072xi32>
    %swap3A = arith.constant 0 : index
    %swap3A_845 = arith.constant 0 : index
    %swap3A_846 = arith.constant 0 : index
    %swap3A_847 = vector.load %arg5[%swap3A, %swap3A_845, %swap3A_846] : memref<1x1x3072xi32, #tpu.memory_space<vmem>>, vector<1x1x3072xi32>
    %swap3A_848 = vector.shape_cast %swap3A_847 : vector<1x1x3072xi32> to vector<3072xi32>
    %swap3A_849 = vector.shape_cast %reduce_min3A_844 : vector<3072xi32> to vector<1x1x3072xi32>
    tpu.vector_store %arg5[%swap3A, %swap3A_845, %swap3A_846], %swap3A_849 {strides = array<i32>} : memref<1x1x3072xi32, #tpu.memory_space<vmem>>, vector<1x1x3072xi32>,
    return
  }
  func.func @transform_0(%arg0: i32) -> (i32, i32) {
    %c0_i32 = arith.constant 0 : i32
    %c0_i32_0 = arith.constant 0 : i32
    return %arg0, %c0_i32 : i32, i32
  }
  func.func @transform_1(%arg0: i32) -> (i32, i32) {
    %c0_i32 = arith.constant 0 : i32
    %c0_i32_0 = arith.constant 0 : i32
    %c0_i32_1 = arith.constant 0 : i32
    return %c0_i32, %c0_i32_0 : i32, i32
  }
  func.func @transform_2(%arg0: i32) -> (i32, i32) {
    %c0_i32 = arith.constant 0 : i32
    %c0_i32_0 = arith.constant 0 : i32
    return %arg0, %c0_i32 : i32, i32
  }
  func.func @transform_3(%arg0: i32) -> (i32, i32) {
    %c0_i32 = arith.constant 0 : i32
    %c0_i32_0 = arith.constant 0 : i32
    %c0_i32_1 = arith.constant 0 : i32
    return %c0_i32, %c0_i32_0 : i32, i32
  }
  func.func @transform_4(%arg0: i32) -> (i32, i32, i32) {
    %c0_i32 = arith.constant 0 : i32
    %c0_i32_0 = arith.constant 0 : i32
    %c0_i32_1 = arith.constant 0 : i32
    return %arg0, %c0_i32, %c0_i32_0 : i32, i32, i32
  }
}

</mosaic_0001>

<sc_bundles>
// kernel: kernel.4.cloned.1.call-start
scs
__scs_entry_jumppad:
0x0: {  	(pc) =	sbr.rel $0x88, $3  }
0x1: {  	(tag) =	ssettag $0x0;
	lr =	simm.s32 $0x1  }
0x2: {  	[smem:$0x3F9F] =	sst lr;
	_ =	strace $0xD0000000  }
0x3: {  	_ = 	snop  }
0x4: {  	_ = 	snop  }
0x5: {  	_ = 	snop  }
0x6: {  	_ = 	snop  }
0x7: {  	_ = 	snop  }
__scs_overlays_trampoline_lowered:
0x8: {  	[smem:$0x3FAE] =	sst s0  }
0x9: {  	[smem:$0x3FAF] =	sst s1  }
0xa: {  	[smem:$0x3FB0] =	sst s2  }
0xb: {  	[smem:$0x3FB1] =	sst s3  }
0xc: {  	[smem:$0x3FB2] =	sst s4  }
0xd: {  	[smem:$0x3FB3] =	sst s5  }
0xe: {  	[smem:$0x3FB4] =	sst s6  }
0xf: {  	[smem:$0x3FB5] =	sst s7  }
0x10: {  	[smem:$0x3FB6] =	sst s8  }
0x11: {  	[smem:$0x3FB7] =	sst s9;
	s0 =	simm.s32 @!p0 $0x0  }
0x12: {  	s1 =	sld [smem:$0x3F9D];
	s0 =	simm.s32 @p0 $0x1  }
0x13: {  	[smem:$0x3FB8] =	sst s0;
	s0 =	simm.s32 @!p1 $0x0  }
0x14: {  	s2 =	sld [smem:$0x3F9C];
	s0 =	simm.s32 @p1 $0x1  }
0x15: {  	[smem:$0x3FB9] =	sst s0;
	s0 =	simm.s32 @!p2 $0x0  }
0x16: {  	s3 =	sld [smem:$0x3FDB];
	s0 =	simm.s32 @p2 $0x1  }
0x17: {  	s4 =	simm.s32 $0x1BF5;
	[smem:$0x3FBB] =	sst s0  }
0x18: {  	s0 =	sld [smem:$0x3F9E];
	_ =	swait.ge [sflag:s4], $0x0  }
0x19: {  	s7 =	sld [smem:$0x3F9F]  }
0x1a: {  	s8 =	sadd.s32 $0xFFFFE003, lr  }
0x1b: {  	s9 =	sadd.s32 $0xFFFFFEF7, lr;
	s5 =	simm.s32 $0xFFFFFFFF;
	p2 =	slt.u32 s8, $0xFFFFF086  }
0x1c: {  	p1 =	slt.u32 s9, $0xF7A;
	s5 =	simm.s32 @!p2 $0x0  }
0x1d: {  	s5 =	simm.s32 @p1 $0x1;
	p0 =	seq.s32 s7, s2  }
0x1e: {  	s7 =	smul.u32 @!p0 $0xF7A, s2;
	p2 =	seq.s32 @!p0 s5, $0x0  }
0x1f: {  	s9 =	smul.u32 $0xF7A, s1;
	s8 =	simm.s32 @!p0 $0x1BF5;
	p2 =	por !p2, p0  }
0x20: {  	[sflag:s8] =	ssyncset.s32 @!p0 $0xFFFFF086;
	s6 =	sadd.s32 @!p0 s3, s7;
	s7 =	simm.s32 @!p0 $0x108  }
0x21: {  	s3 =	sadd.s32 s3, s9;
	s6 =	sadd.s32 @!p0 $0x88, s6;
	s7 =	simm.s32 @p2 $0x1082  }
0x22: {  	[simem:s7], [sflag:s8] =	dma.local @!p0 [hbm:s6], $0xF7A  }
0x23: {  	s9 =	sor.u32 $0xD0000000, s2;
	s6 =	simm.s32 $0x108;
	_ =	swait.ge @!p0 [sflag:s8], $0x0  }
0x24: {  	s3 =	sadd.s32 $0x88, s3;
	s6 =	simm.s32 @!p1 $0x1082;
	[sflag:s4] =	ssyncset.s32 $0xFFFFF086  }
0x25: {  	[simem:s6], [sflag:s4] =	dma.local [hbm:s3], $0xF7A  }
0x26: {  	[smem:$0x3F9F] =	sst s1;
	(tag) =	ssettag s2;
	_ =	strace s9  }
0x27: {  	s1 =	sld [smem:$0x3FAF]  }
0x28: {  	s2 =	sld [smem:$0x3FB0]  }
0x29: {  	s4 =	sld [smem:$0x3FB2]  }
0x2a: {  	p0 =	seq.s32 s5, $0x0;
	s5 =	sld [smem:$0x3FB3]  }
0x2b: {  	s6 =	sld [smem:$0x3FB4]  }
0x2c: {  	s7 =	sld [smem:$0x3FB5]  }
0x2d: {  	s3 =	simm.s32 $0x108;
	s8 =	sld [smem:$0x3FB6]  }
0x2e: {  	s3 =	simm.s32 @!p0 $0x1082;
	s9 =	sld [smem:$0x3FB7]  }
0x2f: {  	lr =	sadd.s32 s0, s3;
	s0 =	sld [smem:$0x3FAE]  }
0x30: {  	s3 =	sld [smem:$0x3FB1]  }
0x31: {  	[smem:$0x3FBA] =	sst s10  }
0x32: {  	s10 =	sld [smem:$0x3FB8];
	_ =	sdelay $0x3  }
0x33: {  	p0 =	seq.s32 s10, $0x1;
	s10 =	sld [smem:$0x3FBA];
	_ =	sdelay $0x3  }
0x34: {  	[smem:$0x3FBA] =	sst s10  }
0x35: {  	s10 =	sld [smem:$0x3FB9];
	_ =	sdelay $0x3  }
0x36: {  	p1 =	seq.s32 s10, $0x1;
	s10 =	sld [smem:$0x3FBA];
	_ =	sdelay $0x3  }
0x37: {  	[smem:$0x3FBA] =	sst s10  }
0x38: {  	s10 =	sld [smem:$0x3FBB]  }
0x39: {  	_ = 	snop;
	(pc) =	sbr.ind lr, $3  }
0x3a: {  	_ = 	snop  }
0x3b: {  	_ = 	snop  }
0x3c: {  	p2 =	seq.s32 s10, $0x1;
	s10 =	sld [smem:$0x3FBA]  }
0x3d: {  	_ =	shalt  }
0x3e: {  	_ =	shalt  }
0x3f: {  	_ =	shalt  }
0x40: {  	_ =	shalt  }
0x41: {  	_ =	shalt  }
0x42: {  	_ =	shalt  }
0x43: {  	_ =	shalt  }
0x44: {  	_ =	shalt  }
0x45: {  	_ =	shalt  }
0x46: {  	_ =	shalt  }
0x47: {  	_ =	shalt  }
0x48: {  	_ =	shalt  }
0x49: {  	_ =	shalt  }
0x4a: {  	_ =	shalt  }
0x4b: {  	_ =	shalt  }
0x4c: {  	_ =	shalt  }
0x4d: {  	_ =	shalt  }
0x4e: {  	_ =	shalt  }
0x4f: {  	_ =	shalt  }
0x50: {  	_ =	shalt  }
0x51: {  	_ =	shalt  }
0x52: {  	_ =	shalt  }
0x53: {  	_ =	shalt  }
0x54: {  	_ =	shalt  }
0x55: {  	_ =	shalt  }
0x56: {  	_ =	shalt  }
0x57: {  	_ =	shalt  }
0x58: {  	_ =	shalt  }
0x59: {  	_ =	shalt  }
0x5a: {  	_ =	shalt  }
0x5b: {  	_ =	shalt  }
0x5c: {  	_ =	shalt  }
0x5d: {  	_ =	shalt  }
0x5e: {  	_ =	shalt  }
0x5f: {  	_ =	shalt  }
0x60: {  	_ =	shalt  }
0x61: {  	_ =	shalt  }
0x62: {  	_ =	shalt  }
0x63: {  	_ =	shalt  }
0x64: {  	_ =	shalt  }
0x65: {  	_ =	shalt  }
0x66: {  	_ =	shalt  }
0x67: {  	_ =	shalt  }
0x68: {  	_ =	shalt  }
0x69: {  	_ =	shalt  }
0x6a: {  	_ =	shalt  }
0x6b: {  	_ =	shalt  }
0x6c: {  	_ =	shalt  }
0x6d: {  	_ =	shalt  }
0x6e: {  	_ =	shalt  }
0x6f: {  	_ =	shalt  }
0x70: {  	_ =	shalt  }
0x71: {  	_ =	shalt  }
0x72: {  	_ =	shalt  }
0x73: {  	_ =	shalt  }
0x74: {  	_ =	shalt  }
0x75: {  	_ =	shalt  }
0x76: {  	_ =	shalt  }
0x77: {  	_ =	shalt  }
0x78: {  	_ =	shalt  }
0x79: {  	_ =	shalt  }
0x7a: {  	_ =	shalt  }
0x7b: {  	_ =	shalt  }
0x7c: {  	_ =	shalt  }
0x7d: {  	_ =	shalt  }
0x7e: {  	_ =	shalt  }
0x7f: {  	_ =	shalt  }
0x80: {  	_ =	shalt  }
0x81: {  	_ =	shalt  }
0x82: {  	_ =	shalt  }
0x83: {  	_ =	shalt  }
0x84: {  	_ =	shalt  }
0x85: {  	_ =	shalt  }
0x86: {  	_ =	shalt  }
0x87: {  	_ =	shalt  }
.Lfunc_end0:
.L_simem_size_0:
called_computation_lowered:
.L_overlay_start_0:
0x88: {  	s2 =	sld [smem:$0x3FD9]  }
0x89: {  	s3 =	sld [smem:$0x3FFE];
	_ =	sdelay $0x1  }
0x8a: {  	s1 =	srdreg.scid  }
0x8b: {  	s0 =	sand.u32 $0x1, s1  }
0x8c: {  	s15 =	sshll.u32 s0, $0xA;
	s2 =	sadd.s32 s3, s2  }
0x8d: {  	s2 =	sadd.s32 s2, s15  }
0x8e: {  	[smem:$0x3FC6] =	sst s2  }
0x8f: {  	_ = 	snop  }
0x90: {  	s2 =	sld [smem:$0x3FD0];
	_ =	sdelay $0x2  }
0x91: {  	s4 =	simm.s32 $0xA;
	s5 =	simm.s32 $0x10;
	s16 =	sld [smem:$0x3FC8]  }
0x92: {  	[smem:s5], [sflag:s4] =	dma.local [hbm:s2], $0x1  }
0x93: {  	_ =	swait.eq [sflag:s4], $0x1  }
0x94: {  	[sflag:s4] =	ssyncset.done $0x0  }
0x95: {  	s17 =	sld [smem:$0x10];
	[sflag:s4] =	ssyncadd.s32 $0xFFFFFFFF  }
0x96: {  	s18 =	sld [smem:$0x11];
	(tm) =	ssettm $0x1  }
0x97: {  	s19 =	sld [smem:$0x3FFB];
	_ =	sdelay $0x3  }
0x98: {  	_ =	strace s19  }
0x99: {  	s5 =	sld [smem:$0x3FFC];
	_ =	sdelay $0x3  }
0x9a: {  	_ =	strace s5  }
0x9b: {  	s5 =	sld [smem:$0x3FFD];
	_ =	sdelay $0x3  }
0x9c: {  	_ =	strace s5  }
0x9d: {  	_ =	strace $0x8FFFFFFF  }
0x9e: {  	s20 =	sld [smem:$0x3FDB];
	_ =	sdelay $0x1  }
0x9f: {  	s6 =	simm.s32 $_scs_section_size  }
0xa0: {  	s7 =	simm.s32 $_size__tile_overlayer_lowered;
	s8 =	simm.s32 $_tile_overlayer_lowered  }
0xa1: {  	s23 =	simm.s32 $0x1BFF;
	s22 =	sshll.u32 s8, $0x1;
	s5 =	sadd.s32 s6, s20  }
0xa2: {  	s9 =	simm.s32 $0x0;
	s21 =	sshll.u32 s7, $0x1;
	s7 =	sadd.s32 s22, s5  }
0xa3: {  	[timem:s9], [sflag:s23] =	dma.local [hbm:s7], s21  }
0xa4: {  	_ =	swait.ge [sflag:s23], s21  }
0xa5: {  	s6 =	ssub.s32 $0x0, s21;
	[sflag:s23] =	ssyncset.done $0x0  }
0xa6: {  	[sflag:s23] =	ssyncadd.s32 s6;
	_ =	sdelay $0x1  }
0xa7: {  	s24 =	simm.s32 $0x1B8B  }
0xa8: {  	_ =	swait.ge [sflag:s24], $0x1  }
0xa9: {  	[sflag:s24] =	ssyncset.done $0x0  }
0xaa: {  	s25 =	simm.s32 $0x1B8E;
	[sflag:s24] =	ssyncadd.s32 $0xFFFFFFFF  }
0xab: {  	s26 =	simm.s32 $execute0_lowered;
	[smem:$0x3FD2] =	sst s25  }
0xac: {  	s6 =	sshll.u32 s26, $0x1;
	_ =	strace $0x80000046;
	[dreg:$0x1] =	wrdreg $0xFFFFFFFF  }
0xad: {  	s28 =	simm.s32 $_size_execute0_lowered;
	s5 =	sadd.s32 s5, s6;
	[dreg:$0x0] =	wrdreg $0x0  }
0xae: {  	s6 =	sshll.u32 s28, $0x1;
	[dreg:$0x2] =	wrdreg s5  }
0xaf: {  	[dreg:$0x3] =	wrdreg s6  }
0xb0: {  	[dreg:$0x4] =	wrdreg $0xC0  }
0xb1: {  	_ =	task [dreg:s9], $0x5FFFF  }
0xb2: {  	[dreg:$0x1] =	wrdreg $0xFFFFFFFF  }
0xb3: {  	[dreg:$0x0] =	wrdreg $0x60  }
0xb4: {  	[dreg:$0x2] =	wrdreg s16  }
0xb5: {  	[dreg:$0x3] =	wrdreg s18  }
0xb6: {  	[dreg:$0x4] =	wrdreg s17  }
0xb7: {  	[dreg:$0x5] =	wrdreg $0x9  }
0xb8: {  	_ =	task.clear_ibuf [dreg:s9], $0x6FFFF;
	_ =	strace $0x90000046  }
0xb9: {  	s29 =	simm.s32 $0x9;
	_ =	strace $0x80000048  }
0xba: {  	_ =	swait.ge [sflag:s29], $0x1  }
0xbb: {  	[sflag:s29] =	ssyncadd.s32 $0xFFFFFFFF  }
0xbc: {  	_ =	strace $0x90000048  }
0xbd: {  	_ =	sfence  }
0xbe: {  	s30 =	sld [smem:$0x0];
	_ =	sdelay $0x2  }
0xbf: {  	s31 =	sshll.u32 s1, $0xD;
	s1 =	sshrl.u32 s1, $0x2  }
0xc0: {  	s3 =	sand.u32 $0x4000, s31;
	s1 =	sadd.s32 s1, s30  }
0xc1: {  	s0 =	sor.u32 s3, s0;
	s1 =	sshll.u32 s1, $0x11  }
0xc2: {  	s0 =	sor.u32 s1, s0  }
0xc3: {  	s0 =	sadd.s32 $0x8F2B, s0  }
0xc4: {  	[sflag:s0] =	ssyncadd.remote.s32 $0x1  }
0xc5: {  	_ =	sfence.sel $0xFFFF  }
0xc6: {  	[dreg:$0x0] =	wrdreg $0xFFFFFFFF;
	(pc) =	sbr.abs _section_cstart, $3  }
0xc7: {  	[dreg:$0x1] =	wrdreg $0xFFFFFFFF  }
0xc8: {  	_ =	task.clear_ibuf [dreg:s9], $0x2FFFF;
	_ =	strace $0x9FFFFFFF  }
0xc9: {  	(tm) =	ssettm $0x7FFFFFFF  }
tec
execute0_lowered:
.L_overlay_start_1:
0x0: {  	(tag) =	ssettag $0x1  }
0x1: {  	s1 =	rddreg [dreg:$0x0]  }
0x2: {  	s2 =	srdreg.scid;
	s4 =	rddreg [dreg:$0x1]  }
0x3: {  	s0 =	stileid.u32;
	s5 =	rddreg [dreg:$0x2];
	s15 =	simm.s32 $0x980  }
0x4: {  	s16 =	simm.s32 $0x1180;
	s2 =	sand.u32 $0x1, s2;
	s3 =	sshll.u32 s0, $0x1  }
0x5: {  	s17 =	simm.s32 $0x1980;
	s6 =	sor.u32 s2, s3;
	s3 =	simm.s32 $0x0  }
0x6: {  	s18 =	simm.s32 $0x2180;
	s19 =	simm.s32 $0x2980;
	[smem:$0x7FF] =	sst s3  }
0x7: {  	s20 =	simm.s32 $0x3180;
	_ =	strace $0x80000047;
	[dreg:$0x6] =	wrdreg s15  }
0x8: {  	s21 =	simm.s32 $0x3980;
	s23 =	simm.s32 $0x4180;
	[dreg:$0x7] =	wrdreg s16  }
0x9: {  	s24 =	simm.s32 $0x4980;
	s25 =	simm.s32 $0x5180;
	[dreg:$0x8] =	wrdreg s17  }
0xa: {  	s26 =	simm.s32 $0x5980;
	s8 =	simm.s32 $0x6980;
	[dreg:$0x9] =	wrdreg s18  }
0xb: {  	s9 =	simm.s32 $0x7180;
	s10 =	simm.s32 $0x7980;
	[dreg:$0xa] =	wrdreg s19  }
0xc: {  	s11 =	simm.s32 $0x8180;
	s12 =	simm.s32 $0x8980;
	[dreg:$0xb] =	wrdreg s20  }
0xd: {  	s13 =	simm.s32 $0x9180;
	s28 =	simm.s32 $0x10180;
	[dreg:$0xc] =	wrdreg s21  }
0xe: {  	s29 =	simm.s32 $0x10980;
	s30 =	simm.s32 $0x11180;
	[dreg:$0xd] =	wrdreg s23  }
0xf: {  	s31 =	simm.s32 $0x11980;
	s2 =	ssub.s32 $0x2, s2;
	[dreg:$0xe] =	wrdreg s24  }
0x10: {  	s7 =	smul.u32 $0x24, s6;
	s22 =	sshrl.u32 s2, $0x1;
	[dreg:$0xf] =	wrdreg s25  }
0x11: {  	s6 =	smul.u32 $0x2400, s6;
	s2 =	ssub.s32 s2, s22;
	[dreg:$0x10] =	wrdreg s26  }
0x12: {  	s15 =	simm.s32 $0xA180;
	s16 =	simm.s32 $0xA980;
	s17 =	simm.s32 $0xB180  }
0x13: {  	s18 =	simm.s32 $0xB980;
	s19 =	simm.s32 $0xC180;
	s20 =	simm.s32 $0xC980  }
0x14: {  	s21 =	simm.s32 $0xD180;
	s22 =	simm.s32 $0xD980;
	s23 =	simm.s32 $0xE180  }
0x15: {  	s24 =	simm.s32 $0xE980;
	s25 =	simm.s32 $0xF180;
	s4 =	sadd.s32 s4, s7  }
0x16: {  	v2 =	vlaneseq.u32;
	s26 =	simm.s32 $0xF980;
	s14 =	sadd.s32 s5, s6;
	[dreg:$0x4] =	wrdreg s4  }
0x17: {  	vm0 =	vmmov $0xffff;
	v1 =	vshrl.u32 v2, $0x3;
	s5 =	simm.s32 $0x2;
	s6 =	simm.s32 $0x180;
	[dreg:$0x5] =	wrdreg s14  }
0x18: {  	v0 =	vand.u32 $0x7, v2;
	v2 =	vor.u32 $0x8, v2;
	v1 =	vmul.u32 $0x8, v1;
	s4 =	smax.u32 s2, $0x1;
	s14 =	simm.s32 $0x9980;
	s2 =	simm.s32 $0x1  }
.LBB2_1:
0x19: {  	s0 =	rddreg [dreg:$0x4]  }
0x1a: {  	[tilespmem:s3], [sflag:$0x2] =	stream.linear.gather [hbm4b:s0+s3], $0x120, $0x38;
	[tilespmem:$0x12180] =	vst v63  }
0x1b: {  	_ =	swait.ge [sflag:s5], $0x120  }
0x1c: {  	[sflag:s5] =	ssyncset.done $0x0  }
0x1d: {  	[sflag:s5] =	ssyncadd.s32 $0xFFFFFEE0  }
0x1e: {  	v3 =	vld [tilespmem:$0x0];
	_ =	sdelay $0x4  }
0x1f: {  	v4 =	vshll.u32 v3, $0x1  }
0x20: {  	v3 =	vand.u32 $0x7, v3;
	v4 =	vand.u32 $0xFFFFFFF0, v4  }
0x21: {  	v3 =	vor.u32 v3, v4  }
0x22: {  	v4 =	vperm.xlane v3, v0;
	_ =	sdelay $0x1  }
0x23: {  	v3 =	vperm.xlane v3, v2;
	v4 =	vadd.s32 v1, v4;
	_ =	sdelay $0x1  }
0x24: {  	v3 =	vadd.s32 v1, v3;
	_ =	sdelay $0x2  }
0x25: {  	[tilespmem:s6], [sflag:$0x1] =	stream.indirect_vreg.gather [hbm4b:s1+s3], $0x80, v4, vm0, $0xb8;
	[tilespmem:$0x12180] =	vst v63  }
0x26: {  	s7 =	rddreg [dreg:$0x6]  }
0x27: {  	[tilespmem:s7], [sflag:$0x1] =	stream.indirect_vreg.gather [hbm4b:s1+s3], $0x80, v3, vm0, $0xb8;
	[tilespmem:$0x12180] =	vst v63  }
0x28: {  	v3 =	vld [tilespmem:$0x10];
	_ =	sdelay $0x4  }
0x29: {  	v47 =	vshll.u32 v3, $0x1  }
0x2a: {  	v3 =	vand.u32 $0x7, v3;
	v4 =	vand.u32 $0xFFFFFFF0, v47  }
0x2b: {  	v3 =	vor.u32 v3, v4  }
0x2c: {  	v4 =	vperm.xlane v3, v0;
	_ =	sdelay $0x1  }
0x2d: {  	v3 =	vperm.xlane v3, v2;
	v4 =	vadd.s32 v1, v4;
	_ =	sdelay $0x1  }
0x2e: {  	v3 =	vadd.s32 v1, v3;
	_ =	sdelay $0x1  }
0x2f: {  	s0 =	rddreg [dreg:$0x7]  }
0x30: {  	[tilespmem:s0], [sflag:$0x1] =	stream.indirect_vreg.gather [hbm4b:s1+s3], $0x80, v4, vm0, $0xb8;
	[tilespmem:$0x12180] =	vst v63  }
0x31: {  	s7 =	rddreg [dreg:$0x8]  }
0x32: {  	[tilespmem:s7], [sflag:$0x1] =	stream.indirect_vreg.gather [hbm4b:s1+s3], $0x80, v3, vm0, $0xb8;
	[tilespmem:$0x12180] =	vst v63  }
0x33: {  	v3 =	vld [tilespmem:$0x20];
	_ =	sdelay $0x4  }
0x34: {  	v48 =	vshll.u32 v3, $0x1  }
0x35: {  	v3 =	vand.u32 $0x7, v3;
	v4 =	vand.u32 $0xFFFFFFF0, v48  }
0x36: {  	v3 =	vor.u32 v3, v4  }
0x37: {  	v4 =	vperm.xlane v3, v0;
	_ =	sdelay $0x1  }
0x38: {  	v3 =	vperm.xlane v3, v2;
	v4 =	vadd.s32 v1, v4;
	_ =	sdelay $0x1  }
0x39: {  	v3 =	vadd.s32 v1, v3;
	_ =	sdelay $0x1  }
0x3a: {  	s0 =	rddreg [dreg:$0x9]  }
0x3b: {  	[tilespmem:s0], [sflag:$0x1] =	stream.indirect_vreg.gather [hbm4b:s1+s3], $0x80, v4, vm0, $0xb8;
	[tilespmem:$0x12180] =	vst v63  }
0x3c: {  	s7 =	rddreg [dreg:$0xa]  }
0x3d: {  	[tilespmem:s7], [sflag:$0x1] =	stream.indirect_vreg.gather [hbm4b:s1+s3], $0x80, v3, vm0, $0xb8;
	[tilespmem:$0x12180] =	vst v63  }
0x3e: {  	v3 =	vld [tilespmem:$0x30];
	_ =	sdelay $0x4  }
0x3f: {  	v49 =	vshll.u32 v3, $0x1  }
0x40: {  	v3 =	vand.u32 $0x7, v3;
	v4 =	vand.u32 $0xFFFFFFF0, v49  }
0x41: {  	v3 =	vor.u32 v3, v4  }
0x42: {  	v4 =	vperm.xlane v3, v0;
	_ =	sdelay $0x1  }
0x43: {  	v3 =	vperm.xlane v3, v2;
	v4 =	vadd.s32 v1, v4;
	_ =	sdelay $0x1  }
0x44: {  	v3 =	vadd.s32 v1, v3;
	_ =	sdelay $0x1  }
0x45: {  	s0 =	rddreg [dreg:$0xb]  }
0x46: {  	[tilespmem:s0], [sflag:$0x1] =	stream.indirect_vreg.gather [hbm4b:s1+s3], $0x80, v4, vm0, $0xb8;
	[tilespmem:$0x12180] =	vst v63  }
0x47: {  	s7 =	rddreg [dreg:$0xc]  }
0x48: {  	[tilespmem:s7], [sflag:$0x1] =	stream.indirect_vreg.gather [hbm4b:s1+s3], $0x80, v3, vm0, $0xb8;
	[tilespmem:$0x12180] =	vst v63  }
0x49: {  	v3 =	vld [tilespmem:$0x40];
	_ =	sdelay $0x4  }
0x4a: {  	v50 =	vshll.u32 v3, $0x1  }
0x4b: {  	v3 =	vand.u32 $0x7, v3;
	v4 =	vand.u32 $0xFFFFFFF0, v50  }
0x4c: {  	v3 =	vor.u32 v3, v4  }
0x4d: {  	v4 =	vperm.xlane v3, v0;
	_ =	sdelay $0x1  }
0x4e: {  	v3 =	vperm.xlane v3, v2;
	v4 =	vadd.s32 v1, v4;
	_ =	sdelay $0x1  }
0x4f: {  	v3 =	vadd.s32 v1, v3;
	_ =	sdelay $0x1  }
0x50: {  	s0 =	rddreg [dreg:$0xd]  }
0x51: {  	[tilespmem:s0], [sflag:$0x1] =	stream.indirect_vreg.gather [hbm4b:s1+s3], $0x80, v4, vm0, $0xb8;
	[tilespmem:$0x12180] =	vst v63  }
0x52: {  	s7 =	rddreg [dreg:$0xe]  }
0x53: {  	[tilespmem:s7], [sflag:$0x1] =	stream.indirect_vreg.gather [hbm4b:s1+s3], $0x80, v3, vm0, $0xb8;
	[tilespmem:$0x12180] =	vst v63  }
0x54: {  	v3 =	vld [tilespmem:$0x50];
	_ =	sdelay $0x4  }
0x55: {  	v51 =	vshll.u32 v3, $0x1  }
0x56: {  	v3 =	vand.u32 $0x7, v3;
	v4 =	vand.u32 $0xFFFFFFF0, v51  }
0x57: {  	v3 =	vor.u32 v3, v4  }
0x58: {  	v4 =	vperm.xlane v3, v0;
	_ =	sdelay $0x1  }
0x59: {  	v3 =	vperm.xlane v3, v2;
	v4 =	vadd.s32 v1, v4;
	_ =	sdelay $0x1  }
0x5a: {  	v3 =	vadd.s32 v1, v3;
	_ =	sdelay $0x1  }
0x5b: {  	s0 =	rddreg [dreg:$0xf]  }
0x5c: {  	[tilespmem:s0], [sflag:$0x1] =	stream.indirect_vreg.gather [hbm4b:s1+s3], $0x80, v4, vm0, $0xb8;
	[tilespmem:$0x12180] =	vst v63  }
0x5d: {  	s7 =	rddreg [dreg:$0x10]  }
0x5e: {  	[tilespmem:s7], [sflag:$0x1] =	stream.indirect_vreg.gather [hbm4b:s1+s3], $0x80, v3, vm0, $0xb8;
	[tilespmem:$0x12180] =	vst v63  }
0x5f: {  	v3 =	vld [tilespmem:$0x60];
	_ =	sdelay $0x4  }
0x60: {  	v52 =	vshll.u32 v3, $0x1  }
0x61: {  	v3 =	vand.u32 $0x7, v3;
	v4 =	vand.u32 $0xFFFFFFF0, v52  }
0x62: {  	v3 =	vor.u32 v3, v4  }
0x63: {  	v4 =	vperm.xlane v3, v0;
	_ =	sdelay $0x1  }
0x64: {  	v3 =	vperm.xlane v3, v2;
	v4 =	vadd.s32 v1, v4;
	_ =	sdelay $0x1  }
0x65: {  	v3 =	vadd.s32 v1, v3;
	_ =	sdelay $0x1  }
0x66: {  	s7 =	simm.s32 $0x6180  }
0x67: {  	[tilespmem:s7], [sflag:$0x1] =	stream.indirect_vreg.gather [hbm4b:s1+s3], $0x80, v4, vm0, $0xb8;
	[tilespmem:$0x12180] =	vst v63  }
0x68: {  	_ = 	snop  }
0x69: {  	[tilespmem:s8], [sflag:$0x1] =	stream.indirect_vreg.gather [hbm4b:s1+s3], $0x80, v3, vm0, $0xb8;
	[tilespmem:$0x12180] =	vst v63  }
0x6a: {  	v3 =	vld [tilespmem:$0x70];
	_ =	sdelay $0x4  }
0x6b: {  	v53 =	vshll.u32 v3, $0x1  }
0x6c: {  	v3 =	vand.u32 $0x7, v3;
	v4 =	vand.u32 $0xFFFFFFF0, v53  }
0x6d: {  	v3 =	vor.u32 v3, v4  }
0x6e: {  	v4 =	vperm.xlane v3, v0;
	_ =	sdelay $0x1  }
0x6f: {  	v3 =	vperm.xlane v3, v2;
	v4 =	vadd.s32 v1, v4;
	_ =	sdelay $0x1  }
0x70: {  	v3 =	vadd.s32 v1, v3;
	_ =	sdelay $0x2  }
0x71: {  	[tilespmem:s9], [sflag:$0x1] =	stream.indirect_vreg.gather [hbm4b:s1+s3], $0x80, v4, vm0, $0xb8;
	[tilespmem:$0x12180] =	vst v63  }
0x72: {  	_ = 	snop  }
0x73: {  	[tilespmem:s10], [sflag:$0x1] =	stream.indirect_vreg.gather [hbm4b:s1+s3], $0x80, v3, vm0, $0xb8;
	[tilespmem:$0x12180] =	vst v63  }
0x74: {  	v3 =	vld [tilespmem:$0x80];
	_ =	sdelay $0x4  }
0x75: {  	v54 =	vshll.u32 v3, $0x1  }
0x76: {  	v3 =	vand.u32 $0x7, v3;
	v4 =	vand.u32 $0xFFFFFFF0, v54  }
0x77: {  	v3 =	vor.u32 v3, v4  }
0x78: {  	v4 =	vperm.xlane v3, v0;
	_ =	sdelay $0x1  }
0x79: {  	v3 =	vperm.xlane v3, v2;
	v4 =	vadd.s32 v1, v4;
	_ =	sdelay $0x1  }
0x7a: {  	v3 =	vadd.s32 v1, v3;
	_ =	sdelay $0x2  }
0x7b: {  	[tilespmem:s11], [sflag:$0x1] =	stream.indirect_vreg.gather [hbm4b:s1+s3], $0x80, v4, vm0, $0xb8;
	[tilespmem:$0x12180] =	vst v63  }
0x7c: {  	_ = 	snop  }
0x7d: {  	[tilespmem:s12], [sflag:$0x1] =	stream.indirect_vreg.gather [hbm4b:s1+s3], $0x80, v3, vm0, $0xb8;
	[tilespmem:$0x12180] =	vst v63  }
0x7e: {  	v3 =	vld [tilespmem:$0x90];
	_ =	sdelay $0x4  }
0x7f: {  	v55 =	vshll.u32 v3, $0x1  }
0x80: {  	v3 =	vand.u32 $0x7, v3;
	v4 =	vand.u32 $0xFFFFFFF0, v55  }
0x81: {  	v3 =	vor.u32 v3, v4  }
0x82: {  	v4 =	vperm.xlane v3, v0;
	_ =	sdelay $0x1  }
0x83: {  	v3 =	vperm.xlane v3, v2;
	v4 =	vadd.s32 v1, v4;
	_ =	sdelay $0x1  }
0x84: {  	v3 =	vadd.s32 v1, v3;
	_ =	sdelay $0x2  }
0x85: {  	[tilespmem:s13], [sflag:$0x1] =	stream.indirect_vreg.gather [hbm4b:s1+s3], $0x80, v4, vm0, $0xb8;
	[tilespmem:$0x12180] =	vst v63  }
0x86: {  	_ = 	snop  }
0x87: {  	[tilespmem:s14], [sflag:$0x1] =	stream.indirect_vreg.gather [hbm4b:s1+s3], $0x80, v3, vm0, $0xb8;
	[tilespmem:$0x12180] =	vst v63  }
0x88: {  	v3 =	vld [tilespmem:$0xA0];
	_ =	sdelay $0x4  }
0x89: {  	v56 =	vshll.u32 v3, $0x1  }
0x8a: {  	v3 =	vand.u32 $0x7, v3;
	v4 =	vand.u32 $0xFFFFFFF0, v56  }
0x8b: {  	v3 =	vor.u32 v3, v4  }
0x8c: {  	v4 =	vperm.xlane v3, v0;
	_ =	sdelay $0x1  }
0x8d: {  	v3 =	vperm.xlane v3, v2;
	v4 =	vadd.s32 v1, v4;
	_ =	sdelay $0x1  }
0x8e: {  	v3 =	vadd.s32 v1, v3;
	_ =	sdelay $0x2  }
0x8f: {  	[tilespmem:s15], [sflag:$0x1] =	stream.indirect_vreg.gather [hbm4b:s1+s3], $0x80, v4, vm0, $0xb8;
	[tilespmem:$0x12180] =	vst v63  }
0x90: {  	_ = 	snop  }
0x91: {  	[tilespmem:s16], [sflag:$0x1] =	stream.indirect_vreg.gather [hbm4b:s1+s3], $0x80, v3, vm0, $0xb8;
	[tilespmem:$0x12180] =	vst v63  }
0x92: {  	v3 =	vld [tilespmem:$0xB0];
	_ =	sdelay $0x4  }
0x93: {  	v57 =	vshll.u32 v3, $0x1  }
0x94: {  	v3 =	vand.u32 $0x7, v3;
	v4 =	vand.u32 $0xFFFFFFF0, v57  }
0x95: {  	v3 =	vor.u32 v3, v4  }
0x96: {  	v4 =	vperm.xlane v3, v0;
	_ =	sdelay $0x1  }
0x97: {  	v3 =	vperm.xlane v3, v2;
	v4 =	vadd.s32 v1, v4;
	_ =	sdelay $0x1  }
0x98: {  	v3 =	vadd.s32 v1, v3;
	_ =	sdelay $0x2  }
0x99: {  	[tilespmem:s17], [sflag:$0x1] =	stream.indirect_vreg.gather [hbm4b:s1+s3], $0x80, v4, vm0, $0xb8;
	[tilespmem:$0x12180] =	vst v63  }
0x9a: {  	_ = 	snop  }
0x9b: {  	[tilespmem:s18], [sflag:$0x1] =	stream.indirect_vreg.gather [hbm4b:s1+s3], $0x80, v3, vm0, $0xb8;
	[tilespmem:$0x12180] =	vst v63  }
0x9c: {  	v3 =	vld [tilespmem:$0xC0];
	_ =	sdelay $0x4  }
0x9d: {  	v58 =	vshll.u32 v3, $0x1  }
0x9e: {  	v3 =	vand.u32 $0x7, v3;
	v4 =	vand.u32 $0xFFFFFFF0, v58  }
0x9f: {  	v3 =	vor.u32 v3, v4  }
0xa0: {  	v4 =	vperm.xlane v3, v0;
	_ =	sdelay $0x1  }
0xa1: {  	v3 =	vperm.xlane v3, v2;
	v4 =	vadd.s32 v1, v4;
	_ =	sdelay $0x1  }
0xa2: {  	v3 =	vadd.s32 v1, v3;
	_ =	sdelay $0x2  }
0xa3: {  	[tilespmem:s19], [sflag:$0x1] =	stream.indirect_vreg.gather [hbm4b:s1+s3], $0x80, v4, vm0, $0xb8;
	[tilespmem:$0x12180] =	vst v63  }
0xa4: {  	_ = 	snop  }
0xa5: {  	[tilespmem:s20], [sflag:$0x1] =	stream.indirect_vreg.gather [hbm4b:s1+s3], $0x80, v3, vm0, $0xb8;
	[tilespmem:$0x12180] =	vst v63  }
0xa6: {  	v3 =	vld [tilespmem:$0xD0];
	_ =	sdelay $0x4  }
0xa7: {  	v59 =	vshll.u32 v3, $0x1  }
0xa8: {  	v3 =	vand.u32 $0x7, v3;
	v4 =	vand.u32 $0xFFFFFFF0, v59  }
0xa9: {  	v3 =	vor.u32 v3, v4  }
0xaa: {  	v4 =	vperm.xlane v3, v0;
	_ =	sdelay $0x1  }
0xab: {  	v3 =	vperm.xlane v3, v2;
	v4 =	vadd.s32 v1, v4;
	_ =	sdelay $0x1  }
0xac: {  	v3 =	vadd.s32 v1, v3;
	_ =	sdelay $0x2  }
0xad: {  	[tilespmem:s21], [sflag:$0x1] =	stream.indirect_vreg.gather [hbm4b:s1+s3], $0x80, v4, vm0, $0xb8;
	[tilespmem:$0x12180] =	vst v63  }
0xae: {  	_ = 	snop  }
0xaf: {  	[tilespmem:s22], [sflag:$0x1] =	stream.indirect_vreg.gather [hbm4b:s1+s3], $0x80, v3, vm0, $0xb8;
	[tilespmem:$0x12180] =	vst v63  }
0xb0: {  	v3 =	vld [tilespmem:$0xE0];
	_ =	sdelay $0x4  }
0xb1: {  	v60 =	vshll.u32 v3, $0x1  }
0xb2: {  	v3 =	vand.u32 $0x7, v3;
	v4 =	vand.u32 $0xFFFFFFF0, v60  }
0xb3: {  	v3 =	vor.u32 v3, v4  }
0xb4: {  	v4 =	vperm.xlane v3, v0;
	_ =	sdelay $0x1  }
0xb5: {  	v3 =	vperm.xlane v3, v2;
	v4 =	vadd.s32 v1, v4;
	_ =	sdelay $0x1  }
0xb6: {  	v3 =	vadd.s32 v1, v3;
	_ =	sdelay $0x2  }
0xb7: {  	[tilespmem:s23], [sflag:$0x1] =	stream.indirect_vreg.gather [hbm4b:s1+s3], $0x80, v4, vm0, $0xb8;
	[tilespmem:$0x12180] =	vst v63  }
0xb8: {  	_ = 	snop  }
0xb9: {  	[tilespmem:s24], [sflag:$0x1] =	stream.indirect_vreg.gather [hbm4b:s1+s3], $0x80, v3, vm0, $0xb8;
	[tilespmem:$0x12180] =	vst v63  }
0xba: {  	v3 =	vld [tilespmem:$0xF0];
	_ =	sdelay $0x4  }
0xbb: {  	v61 =	vshll.u32 v3, $0x1  }
0xbc: {  	v3 =	vand.u32 $0x7, v3;
	v4 =	vand.u32 $0xFFFFFFF0, v61  }
0xbd: {  	v3 =	vor.u32 v3, v4  }
0xbe: {  	v4 =	vperm.xlane v3, v0;
	_ =	sdelay $0x1  }
0xbf: {  	v3 =	vperm.xlane v3, v2;
	v4 =	vadd.s32 v1, v4;
	_ =	sdelay $0x1  }
0xc0: {  	v3 =	vadd.s32 v1, v3;
	_ =	sdelay $0x2  }
0xc1: {  	[tilespmem:s25], [sflag:$0x1] =	stream.indirect_vreg.gather [hbm4b:s1+s3], $0x80, v4, vm0, $0xb8;
	[tilespmem:$0x12180] =	vst v63  }
0xc2: {  	_ = 	snop  }
0xc3: {  	[tilespmem:s26], [sflag:$0x1] =	stream.indirect_vreg.gather [hbm4b:s1+s3], $0x80, v3, vm0, $0xb8;
	[tilespmem:$0x12180] =	vst v63  }
0xc4: {  	v3 =	vld [tilespmem:$0x100];
	_ =	sdelay $0x4  }
0xc5: {  	v62 =	vshll.u32 v3, $0x1  }
0xc6: {  	v3 =	vand.u32 $0x7, v3;
	v4 =	vand.u32 $0xFFFFFFF0, v62  }
0xc7: {  	v3 =	vor.u32 v3, v4  }
0xc8: {  	v4 =	vperm.xlane v3, v0;
	_ =	sdelay $0x1  }
0xc9: {  	v3 =	vperm.xlane v3, v2;
	v4 =	vadd.s32 v1, v4;
	_ =	sdelay $0x1  }
0xca: {  	v3 =	vadd.s32 v1, v3;
	_ =	sdelay $0x2  }
0xcb: {  	[tilespmem:s28], [sflag:$0x1] =	stream.indirect_vreg.gather [hbm4b:s1+s3], $0x80, v4, vm0, $0xb8;
	[tilespmem:$0x12180] =	vst v63  }
0xcc: {  	_ = 	snop  }
0xcd: {  	[tilespmem:s29], [sflag:$0x1] =	stream.indirect_vreg.gather [hbm4b:s1+s3], $0x80, v3, vm0, $0xb8;
	[tilespmem:$0x12180] =	vst v63  }
0xce: {  	v3 =	vld [tilespmem:$0x110];
	_ =	sdelay $0x4  }
0xcf: {  	v63 =	vshll.u32 v3, $0x1  }
0xd0: {  	v3 =	vand.u32 $0x7, v3;
	v4 =	vand.u32 $0xFFFFFFF0, v63  }
0xd1: {  	v3 =	vor.u32 v3, v4  }
0xd2: {  	v4 =	vperm.xlane v3, v0;
	_ =	sdelay $0x1  }
0xd3: {  	v3 =	vperm.xlane v3, v2;
	v4 =	vadd.s32 v1, v4;
	_ =	sdelay $0x1  }
0xd4: {  	v3 =	vadd.s32 v1, v3;
	_ =	sdelay $0x2  }
0xd5: {  	[tilespmem:s30], [sflag:$0x1] =	stream.indirect_vreg.gather [hbm4b:s1+s3], $0x80, v4, vm0, $0xb8;
	[tilespmem:$0x12180] =	vst v63  }
0xd6: {  	_ = 	snop  }
0xd7: {  	[tilespmem:s31], [sflag:$0x1] =	stream.indirect_vreg.gather [hbm4b:s1+s3], $0x80, v3, vm0, $0xb8;
	[tilespmem:$0x12180] =	vst v63  }
0xd8: {  	_ =	swait.ge [sflag:s2], $0x12000  }
0xd9: {  	p0 =	sne.s32 s4, $0x1;
	[sflag:s2] =	ssyncset.done $0x0  }
.Ltmp0:
0xda: {  	s7 =	rddreg [dreg:$0x5];
	[sflag:s2] =	ssyncadd.s32 $0xFFFEE000;
	(pc) =	sbr.rel @p0 .LBB2_1-.Ltmp0, $4  }
0xdb: {  	[hbm4b:s7+s3] =	stream.linear.scatter [tilespmem:s6], [sflag:$0x2], $0x12000, $0x38;
	[tilespmem:$0x12180] =	vst v63  }
0xdc: {  	_ =	swait.ge [sflag:s5], $0x12000  }
0xdd: {  	[sflag:s5] =	ssyncset.done $0x0  }
0xde: {  	s4 =	sadd.s32 $0xFFFFFFFF, s4;
	[sflag:s5] =	ssyncadd.s32 $0xFFFEE000  }
0xdf: {  	_ =	sfence.sel $0x180000  }
0xe0: {  	[bflag:$0x0] =	sbarrier.arrive $0xFFFF  }
0xe1: {  	_ =	strace $0x90000047  }
0xe2: {  	s0 =	stileid.u32;
	[bflag:$0x2] =	sbarrier.arrive $0xFFFF  }
0xe3: {  	p0 =	sne.s32 s0, $0x0;
	s0 =	rddreg [dreg:$0x3]  }
0xe4: {  	s0 =	sadd.s32 @!p0 $0x100000, s0  }
0xe5: {  	[sflag:s0] =	ssyncadd.tile.s32 @!p0 $0x1;
	_ =	shalt  }
.Lfunc_end2:
_tile_overlayer_lowered:
.L_overlay_start_2:
0xe6: {  	(tag) =	ssettag $0x2  }
0xe7: {  	s0 =	rddreg [dreg:$0x0];
	s2 =	stileid.u32  }
0xe8: {  	s1 =	rddreg [dreg:$0x1];
	p0 =	sne.s32 s2, $0x0  }
0xe9: {  	s3 =	rddreg [dreg:$0x2];
	[bflag:$0x3] =	sbarrier.arrive $0xFFFF;
	s2 =	simm.s32 @!p0 $0x1C02  }
0xea: {  	[timem:s3], [sflag:s2] =	dma.local @!p0 [hbm:s0], s1  }
0xeb: {  	s0 =	simm.s32 @!p0 $0x2  }
0xec: {  	_ =	swait.ge @!p0 [sflag:s0], s1  }
0xed: {  	s1 =	ssub.s32 @!p0 $0x0, s1;
	[sflag:s0] =	ssyncset.done @!p0 $0x0  }
0xee: {  	[sflag:s0] =	ssyncadd.s32 @!p0 s1  }
0xef: {  	[bflag:$0x3] =	sbarrier.arrive $0xFFFF  }
0xf0: {  	_ =	shalt  }

</sc_bundles>
